<compile_context>
chip_gen: v7x
topology: tpu7x:2x2x1
jax: 0.10.2.dev20260603
libtpu: 0.0.44.dev20260713+nightly
codegen_flags: <defaults>
</compile_context>

<pallas_src>
import functools

import jax
import jax.numpy as jnp
from jax import lax
from jax.experimental import pallas as pl
from jax.experimental.pallas import tpu as pltpu
from jax.experimental.pallas import tpu_sc as plsc

N_NODES = 10000
N_EDGES = 320000
D = 128

NC = 2
NS = 16
NW = NC * NS
E_PER_W = N_EDGES // NW
K = 40
CHUNKS = E_PER_W // K
KOFF = (0, 16, 24)
NP = 10240
ROWS_PER_TILE = NP // NS
SHIFT = 14
FBLK = 1280


def _pack(ei):
    def body(e_ref, o_ref):
        o_ref[...] = (e_ref[1] << SHIFT) | e_ref[0]

    return pl.pallas_call(
        body,
        out_shape=jax.ShapeDtypeStruct((N_EDGES,), jnp.int32),
    )(ei)


def _finalize(partials, pdeg, Wt, b2):
    def body(p_ref, d_ref, w_ref, b_ref, o_ref):
        s = p_ref[0] + p_ref[1]
        deg = d_ref[0] + d_ref[1]
        clip = jnp.maximum(deg, 1.0)
        sn = s / clip[:, None]
        scale = (deg / clip)[:, None]
        o_ref[...] = (
            jnp.dot(sn, w_ref[...], preferred_element_type=jnp.float32)
            + scale * b_ref[...]
        )

    return pl.pallas_call(
        body,
        grid=(NP // FBLK,),
        in_specs=[
            pl.BlockSpec((NC, FBLK, D), lambda i: (0, i, 0)),
            pl.BlockSpec((NC, FBLK), lambda i: (0, i)),
            pl.BlockSpec((D, D), lambda i: (0, 0)),
            pl.BlockSpec((1, D), lambda i: (0, 0)),
        ],
        out_specs=pl.BlockSpec((FBLK, D), lambda i: (i, 0)),
        out_shape=jax.ShapeDtypeStruct((N_NODES, D), jnp.float32),
    )(partials, pdeg, Wt, b2)


def _sc_aggregate(x, packed):
    mesh = plsc.VectorSubcoreMesh(core_axis_name="c", subcore_axis_name="s")

    @functools.partial(
        pl.kernel,
        mesh=mesh,
        out_type=[
            jax.ShapeDtypeStruct((NC, NP, D), jnp.float32),
            jax.ShapeDtypeStruct((NC, NP), jnp.float32),
        ],
        scratch_types=[
            pltpu.VMEM((E_PER_W,), jnp.int32),
            pltpu.VMEM((K,), jnp.int32),
            pltpu.VMEM((K,), jnp.int32),
            pltpu.VMEM((K,), jnp.int32),
            pltpu.VMEM((K,), jnp.int32),
            pltpu.VMEM((K,), jnp.int32),
            pltpu.VMEM((K,), jnp.int32),
            pltpu.VMEM((K,), jnp.int32),
            pltpu.VMEM((K,), jnp.int32),
            pltpu.VMEM((K,), jnp.int32),
            pltpu.VMEM((K,), jnp.int32),
            pltpu.VMEM((K, D), jnp.float32),
            pltpu.VMEM((K, D), jnp.float32),
            pltpu.VMEM((K, D), jnp.float32),
            pltpu.VMEM((K, D), jnp.float32),
            pltpu.VMEM((K, D), jnp.float32),
            pltpu.VMEM((K,), jnp.float32),
            pltpu.VMEM((ROWS_PER_TILE,), jnp.float32),
            pltpu.VMEM_SHARED((NP, D), jnp.float32),
            pltpu.VMEM_SHARED((NP,), jnp.float32),
            pltpu.SemaphoreType.DMA,
            pltpu.SemaphoreType.DMA,
            pltpu.SemaphoreType.DMA,
            pltpu.SemaphoreType.DMA,
            pltpu.SemaphoreType.DMA,
            pltpu.SemaphoreType.DMA,
        ],
    )
    def k(x_hbm, packed_hbm, part_hbm, pdeg_hbm,
          packed_v, srcb_a, srcb_b, srcb_c, srcb_d, srcb_e,
          dstb_a, dstb_b, dstb_c, dstb_d, dstb_e,
          rows_a, rows_b, rows_c, rows_d, rows_e, ones_v,
          zdeg_v, acc_sh, deg_sh,
          sem_a, sem_b, sem_c, sem_d2, sem_e, sem_d):
        cid = lax.axis_index("c")
        tid = lax.axis_index("s")
        wid = cid * NS + tid
        r0 = tid * ROWS_PER_TILE

        pltpu.sync_copy(
            packed_hbm.at[pl.ds(wid * E_PER_W, E_PER_W)], packed_v)

        z16 = jnp.zeros((16,), jnp.float32)

        def zrow(r, c):
            for j in range(8):
                rows_a[r, pl.ds(j * 16, 16)] = z16
            return c

        lax.fori_loop(0, K, zrow, 0)

        def zdeg(i, c):
            zdeg_v[pl.ds(i * 16, 16)] = z16
            return c

        lax.fori_loop(0, ROWS_PER_TILE // 16, zdeg, 0)

        for j in range(ROWS_PER_TILE // K):
            pltpu.async_copy(rows_a, acc_sh.at[pl.ds(r0 + j * K, K)], sem_a)
        pltpu.sync_copy(zdeg_v, deg_sh.at[pl.ds(r0, ROWS_PER_TILE)])
        for j in range(ROWS_PER_TILE // K):
            pltpu.make_async_copy(
                rows_a, acc_sh.at[pl.ds(r0, K)], sem_a).wait()

        for o in KOFF:
            ones_v[pl.ds(o, 16)] = jnp.full((16,), 1.0, jnp.float32)

        mask = jnp.full((16,), (1 << SHIFT) - 1, jnp.int32)

        def unpack(t, srcb, dstb):
            for o in KOFF:
                v = packed_v[pl.ds(t * K + o, 16)]
                srcb[pl.ds(o, 16)] = v & mask
                dstb[pl.ds(o, 16)] = lax.shift_right_logical(v, SHIFT)

        def gather(srcb, rows, sem):
            pltpu.async_copy(x_hbm.at[srcb], rows, sem)

        def gather_wait(rows, sem):
            pltpu.make_async_copy(x_hbm.at[srcb_a], rows, sem).wait()

        def deg_start(dstb):
            pltpu.async_copy(ones_v, deg_sh.at[dstb], sem_d, add=True)

        def deg_wait(dstb):
            pltpu.make_async_copy(ones_v, deg_sh.at[dstb], sem_d).wait()

        def scatter(dstb, rows):
            pltpu.sync_copy(rows, acc_sh.at[dstb], add=True)

        unpack(0, srcb_a, dstb_a)
        unpack(1, srcb_b, dstb_b)
        unpack(2, srcb_c, dstb_c)
        unpack(3, srcb_d, dstb_d)
        unpack(4, srcb_e, dstb_e)

        plsc.subcore_barrier()

        gather(srcb_a, rows_a, sem_a)
        gather(srcb_b, rows_b, sem_b)
        gather(srcb_c, rows_c, sem_c)
        gather(srcb_d, rows_d, sem_d2)
        gather(srcb_e, rows_e, sem_e)

        def chunk_step(tn, srcb, dstb, rows, sem):
            gather_wait(rows, sem)
            deg_start(dstb)
            scatter(dstb, rows)
            deg_wait(dstb)

            @pl.when(tn < CHUNKS)
            def _():
                unpack(tn, srcb, dstb)
                gather(srcb, rows, sem)

        def quint_body(i, c):
            t = 5 * i
            chunk_step(t + 5, srcb_a, dstb_a, rows_a, sem_a)
            chunk_step(t + 6, srcb_b, dstb_b, rows_b, sem_b)
            chunk_step(t + 7, srcb_c, dstb_c, rows_c, sem_c)
            chunk_step(t + 8, srcb_d, dstb_d, rows_d, sem_d2)
            chunk_step(t + 9, srcb_e, dstb_e, rows_e, sem_e)
            return c

        lax.fori_loop(0, CHUNKS // 5, quint_body, 0)

        plsc.subcore_barrier()

        pltpu.sync_copy(
            acc_sh.at[pl.ds(r0, ROWS_PER_TILE)],
            part_hbm.at[cid, pl.ds(r0, ROWS_PER_TILE)],
        )

        @pl.when(tid == 0)
        def _():
            pltpu.sync_copy(deg_sh, pdeg_hbm.at[cid])

    return k(x, packed)


def kernel(x, edge_index, W, b):
    ei = edge_index.astype(jnp.int32)
    packed = _pack(ei)

    partials, pdeg = _sc_aggregate(x, packed)
    return _finalize(partials, pdeg, W.T, b.reshape(1, D))

# --- scband reference (transcript-rebuilt; emitter-appended) ---
"""Pipeline reference for scband-sagelayer-66503273611812 (READ-ONLY COPY).

The authoritative reference and input builder live on the scoring server;
editing this copy changes nothing except your own understanding.
"""

import jax, jax.numpy as jnp
import numpy as np

N_NODES = 10000
N_EDGES = 320000
D_IN = 128
D_OUT = 128


def setup_inputs(seed: int = 0) -> dict:
    key = jax.random.key(seed)
    k1, k2, k3, k4 = jax.random.split(key, 4)
    x = jax.random.normal(k1, (N_NODES, D_IN), dtype=jnp.float32)
    edge_index = jax.random.randint(k2, (2, N_EDGES), 0, N_NODES, dtype=jnp.int64)
    # Linear layer parameters (torch nn.Linear: weight [out, in], bias [out])
    bound = 1.0 / np.sqrt(D_IN)
    W = jax.random.uniform(k3, (D_OUT, D_IN), minval=-bound, maxval=bound, dtype=jnp.float32)
    b = jax.random.uniform(k4, (D_OUT,), minval=-bound, maxval=bound, dtype=jnp.float32)
    return {"x": x, "edge_index": edge_index, "W": W, "b": b}


def reference(x, edge_index, W, b):
    # SAGELayer with MeanAggregator, normalize=False:
    #   h = Linear(x); out = row_normalized_spmm(A, h)  (mean over in-neighbors)
    h = x @ W.T + b
    src = edge_index[0]
    dst = edge_index[1]
    msg = jnp.take(h, src, axis=0)
    agg = jax.ops.segment_sum(msg, dst, num_segments=N_NODES)
    deg = jax.ops.segment_sum(jnp.ones((N_EDGES,), dtype=jnp.float32), dst, num_segments=N_NODES)
    out = agg / jnp.clip(deg, 1.0, None)[:, None]
    return out

if __name__ == "__main__":
    import jax
    _d = setup_inputs()
    print(jax.jit(kernel)(*tuple(_d.values())))

</pallas_src>

<mosaic_0001>
#map = affine_map<(d0, d1) -> (0, 0)>
#map1 = affine_map<(d0, d1) -> (0)>
#map2 = affine_map<(d0, d1) -> (0, 0, 0)>
module attributes {stable_mosaic.version = 14 : i64} {
  func.func @k(%arg0: i32, %arg1: i32, %arg2: memref<10000x128xf32, #tpu.memory_space<hbm>>, %arg3: memref<320000xi32, #tpu.memory_space<hbm>>, %arg4: memref<2x10240x128xf32, #tpu.memory_space<hbm>>, %arg5: memref<2x10240xf32, #tpu.memory_space<hbm>>, %arg6: memref<10000xi32, #tpu.memory_space<vmem>>, %arg7: memref<40xi32, #tpu.memory_space<vmem>>, %arg8: memref<40xi32, #tpu.memory_space<vmem>>, %arg9: memref<40xi32, #tpu.memory_space<vmem>>, %arg10: memref<40xi32, #tpu.memory_space<vmem>>, %arg11: memref<40xi32, #tpu.memory_space<vmem>>, %arg12: memref<40xi32, #tpu.memory_space<vmem>>, %arg13: memref<40xi32, #tpu.memory_space<vmem>>, %arg14: memref<40xi32, #tpu.memory_space<vmem>>, %arg15: memref<40xi32, #tpu.memory_space<vmem>>, %arg16: memref<40xi32, #tpu.memory_space<vmem>>, %arg17: memref<40x128xf32, #tpu.memory_space<vmem>>, %arg18: memref<40x128xf32, #tpu.memory_space<vmem>>, %arg19: memref<40x128xf32, #tpu.memory_space<vmem>>, %arg20: memref<40x128xf32, #tpu.memory_space<vmem>>, %arg21: memref<40x128xf32, #tpu.memory_space<vmem>>, %arg22: memref<40xf32, #tpu.memory_space<vmem>>, %arg23: memref<640xf32, #tpu.memory_space<vmem>>, %arg24: memref<10240x128xf32, #tpu.memory_space<vmem_shared>>, %arg25: memref<10240xf32, #tpu.memory_space<vmem_shared>>, %arg26: memref<!tpu.dma_semaphore, #tpu.memory_space<semaphore_mem>>, %arg27: memref<!tpu.dma_semaphore, #tpu.memory_space<semaphore_mem>>, %arg28: memref<!tpu.dma_semaphore, #tpu.memory_space<semaphore_mem>>, %arg29: memref<!tpu.dma_semaphore, #tpu.memory_space<semaphore_mem>>, %arg30: memref<!tpu.dma_semaphore, #tpu.memory_space<semaphore_mem>>, %arg31: memref<!tpu.dma_semaphore, #tpu.memory_space<semaphore_mem>>) attributes {dimension_semantics = [#tpu.dimension_semantics<core_parallel>, #tpu.dimension_semantics<subcore_parallel>], iteration_bounds = array<i64: 2, 16>, scalar_prefetch = 0 : i64, scratch_operands = 26 : i64, tpu.core_type = #tpu.core_type<sc_vector_subcore>, window_params = [{transform_indices = #map}, {transform_indices = #map1}, {transform_indices = #map2}, {transform_indices = #map}]} {
    %mul3A = arith.constant 16 : i32
    %mul3A_0 = arith.muli %arg0, %mul3A : i32
    %add3A = arith.addi %mul3A_0, %arg1 : i32
    %mul3A_1 = arith.constant 640 : i32
    %mul3A_2 = arith.muli %arg1, %mul3A_1 : i32
    %mul3A_3 = arith.constant 10000 : i32
    %mul3A_4 = arith.muli %add3A, %mul3A_3 : i32
    "tpu.region"() ({
      %run_scoped3A = tpu.sem_alloc : memref<!tpu.dma_semaphore, #tpu.memory_space<semaphore_mem>>
      %dma_start3A_440 = tpu.memref_slice %arg3[%mul3A_4] : memref<320000xi32, #tpu.memory_space<hbm>> -> memref<10000xi32, #tpu.memory_space<hbm>>
      %dma_start3A_441 = tpu.memref_slice %arg3[%mul3A_4] : memref<320000xi32, #tpu.memory_space<hbm>> -> memref<10000xi32, #tpu.memory_space<hbm>>
      tpu.enqueue_dma source(%dma_start3A_441 : memref<10000xi32, #tpu.memory_space<hbm>>) target(%arg6 : memref<10000xi32, #tpu.memory_space<vmem>>) target_semaphore(%run_scoped3A : memref<!tpu.dma_semaphore, #tpu.memory_space<semaphore_mem>>)
      %dma_wait3A_442 = tpu.memref_slice %arg3[%mul3A_4] : memref<320000xi32, #tpu.memory_space<hbm>> -> memref<10000xi32, #tpu.memory_space<hbm>>
      %dma_wait3A_443 = tpu.memref_slice %arg3[%mul3A_4] : memref<320000xi32, #tpu.memory_space<hbm>> -> memref<10000xi32, #tpu.memory_space<hbm>>
      tpu.wait_dma2 semaphore(%run_scoped3A : memref<!tpu.dma_semaphore, #tpu.memory_space<semaphore_mem>>) src(%dma_wait3A_443 : memref<10000xi32, #tpu.memory_space<hbm>>) dst(%arg6 : memref<10000xi32, #tpu.memory_space<vmem>>)
      tpu.yield
    }) : () -> ()
    %broadcast_in_dim3A = arith.constant 0.000000e+00 : f32
    %broadcast_in_dim3A_5 = vector.broadcast %broadcast_in_dim3A : f32 to vector<16xf32>
    %scan3A = arith.constant 0 : i32
    %scan3A_6 = arith.constant 0 : i32
    %scan3A_7 = arith.constant 40 : i32
    %scan3A_8 = arith.addi %scan3A_6, %scan3A_7 : i32
    %scan3A_9 = arith.constant 1 : i32
    scf.for %scan3A_440 = %scan3A_6 to %scan3A_8 step %scan3A_9  : i32 {
      %swap3A_441 = arith.index_cast %scan3A_440 : i32 to index
      %swap3A_442 = arith.constant 0 : index
      %swap3A_443 = tpu.vector_load %arg17[%swap3A_441, %swap3A_442] {strides = array<i32>} : memref<40x128xf32, #tpu.memory_space<vmem>>, vector<1x16xf32>,
      %swap3A_444 = vector.shape_cast %swap3A_443 : vector<1x16xf32> to vector<16xf32>
      %swap3A_445 = vector.shape_cast %broadcast_in_dim3A_5 : vector<16xf32> to vector<1x16xf32>
      tpu.vector_store %arg17[%swap3A_441, %swap3A_442], %swap3A_445 {strides = array<i32>} : memref<40x128xf32, #tpu.memory_space<vmem>>, vector<1x16xf32>,
      %swap3A_446 = arith.index_cast %scan3A_440 : i32 to index
      %swap3A_447 = arith.constant 16 : index
      %swap3A_448 = tpu.vector_load %arg17[%swap3A_446, %swap3A_447] {strides = array<i32>} : memref<40x128xf32, #tpu.memory_space<vmem>>, vector<1x16xf32>,
      %swap3A_449 = vector.shape_cast %swap3A_448 : vector<1x16xf32> to vector<16xf32>
      %swap3A_450 = vector.shape_cast %broadcast_in_dim3A_5 : vector<16xf32> to vector<1x16xf32>
      tpu.vector_store %arg17[%swap3A_446, %swap3A_447], %swap3A_450 {strides = array<i32>} : memref<40x128xf32, #tpu.memory_space<vmem>>, vector<1x16xf32>,
      %swap3A_451 = arith.index_cast %scan3A_440 : i32 to index
      %swap3A_452 = arith.constant 32 : index
      %swap3A_453 = tpu.vector_load %arg17[%swap3A_451, %swap3A_452] {strides = array<i32>} : memref<40x128xf32, #tpu.memory_space<vmem>>, vector<1x16xf32>,
      %swap3A_454 = vector.shape_cast %swap3A_453 : vector<1x16xf32> to vector<16xf32>
      %swap3A_455 = vector.shape_cast %broadcast_in_dim3A_5 : vector<16xf32> to vector<1x16xf32>
      tpu.vector_store %arg17[%swap3A_451, %swap3A_452], %swap3A_455 {strides = array<i32>} : memref<40x128xf32, #tpu.memory_space<vmem>>, vector<1x16xf32>,
      %swap3A_456 = arith.index_cast %scan3A_440 : i32 to index
      %swap3A_457 = arith.constant 48 : index
      %swap3A_458 = tpu.vector_load %arg17[%swap3A_456, %swap3A_457] {strides = array<i32>} : memref<40x128xf32, #tpu.memory_space<vmem>>, vector<1x16xf32>,
      %swap3A_459 = vector.shape_cast %swap3A_458 : vector<1x16xf32> to vector<16xf32>
      %swap3A_460 = vector.shape_cast %broadcast_in_dim3A_5 : vector<16xf32> to vector<1x16xf32>
      tpu.vector_store %arg17[%swap3A_456, %swap3A_457], %swap3A_460 {strides = array<i32>} : memref<40x128xf32, #tpu.memory_space<vmem>>, vector<1x16xf32>,
      %swap3A_461 = arith.index_cast %scan3A_440 : i32 to index
      %swap3A_462 = arith.constant 64 : index
      %swap3A_463 = tpu.vector_load %arg17[%swap3A_461, %swap3A_462] {strides = array<i32>} : memref<40x128xf32, #tpu.memory_space<vmem>>, vector<1x16xf32>,
      %swap3A_464 = vector.shape_cast %swap3A_463 : vector<1x16xf32> to vector<16xf32>
      %swap3A_465 = vector.shape_cast %broadcast_in_dim3A_5 : vector<16xf32> to vector<1x16xf32>
      tpu.vector_store %arg17[%swap3A_461, %swap3A_462], %swap3A_465 {strides = array<i32>} : memref<40x128xf32, #tpu.memory_space<vmem>>, vector<1x16xf32>,
      %swap3A_466 = arith.index_cast %scan3A_440 : i32 to index
      %swap3A_467 = arith.constant 80 : index
      %swap3A_468 = tpu.vector_load %arg17[%swap3A_466, %swap3A_467] {strides = array<i32>} : memref<40x128xf32, #tpu.memory_space<vmem>>, vector<1x16xf32>,
      %swap3A_469 = vector.shape_cast %swap3A_468 : vector<1x16xf32> to vector<16xf32>
      %swap3A_470 = vector.shape_cast %broadcast_in_dim3A_5 : vector<16xf32> to vector<1x16xf32>
      tpu.vector_store %arg17[%swap3A_466, %swap3A_467], %swap3A_470 {strides = array<i32>} : memref<40x128xf32, #tpu.memory_space<vmem>>, vector<1x16xf32>,
      %swap3A_471 = arith.index_cast %scan3A_440 : i32 to index
      %swap3A_472 = arith.constant 96 : index
      %swap3A_473 = tpu.vector_load %arg17[%swap3A_471, %swap3A_472] {strides = array<i32>} : memref<40x128xf32, #tpu.memory_space<vmem>>, vector<1x16xf32>,
      %swap3A_474 = vector.shape_cast %swap3A_473 : vector<1x16xf32> to vector<16xf32>
      %swap3A_475 = vector.shape_cast %broadcast_in_dim3A_5 : vector<16xf32> to vector<1x16xf32>
      tpu.vector_store %arg17[%swap3A_471, %swap3A_472], %swap3A_475 {strides = array<i32>} : memref<40x128xf32, #tpu.memory_space<vmem>>, vector<1x16xf32>,
      %swap3A_476 = arith.index_cast %scan3A_440 : i32 to index
      %swap3A_477 = arith.constant 112 : index
      %swap3A_478 = tpu.vector_load %arg17[%swap3A_476, %swap3A_477] {strides = array<i32>} : memref<40x128xf32, #tpu.memory_space<vmem>>, vector<1x16xf32>,
      %swap3A_479 = vector.shape_cast %swap3A_478 : vector<1x16xf32> to vector<16xf32>
      %swap3A_480 = vector.shape_cast %broadcast_in_dim3A_5 : vector<16xf32> to vector<1x16xf32>
      tpu.vector_store %arg17[%swap3A_476, %swap3A_477], %swap3A_480 {strides = array<i32>} : memref<40x128xf32, #tpu.memory_space<vmem>>, vector<1x16xf32>,
    }
    %scan3A_10 = arith.constant 40 : i32
    %scan3A_11 = arith.constant 0 : i32
    %scan3A_12 = arith.constant 0 : i32
    %scan3A_13 = arith.constant 40 : i32
    %scan3A_14 = arith.addi %scan3A_12, %scan3A_13 : i32
    %scan3A_15 = arith.constant 1 : i32
    scf.for %scan3A_440 = %scan3A_12 to %scan3A_14 step %scan3A_15  : i32 {
      %mul3A_441 = arith.constant 16 : i32
      %mul3A_442 = arith.muli %scan3A_440, %mul3A_441 : i32
      %swap3A_443 = arith.index_cast %mul3A_442 : i32 to index
      %swap3A_444 = tpu.vector_load %arg23[%swap3A_443] {strides = array<i32>} : memref<640xf32, #tpu.memory_space<vmem>>, vector<16xf32>,
      %swap3A_445 = vector.shape_cast %swap3A_444 : vector<16xf32> to vector<16xf32>
      %swap3A_446 = vector.shape_cast %broadcast_in_dim3A_5 : vector<16xf32> to vector<16xf32>
      tpu.vector_store %arg23[%swap3A_443], %swap3A_446 {strides = array<i32>} : memref<640xf32, #tpu.memory_space<vmem>>, vector<16xf32>,
    }
    %scan3A_16 = arith.constant 40 : i32
    %add3A_17 = arith.constant 0 : i32
    %add3A_18 = arith.addi %mul3A_2, %add3A_17 : i32
    %dma_start3A = arith.constant 0 : i32
    %dma_start3A_19 = tpu.memref_slice %arg24[%add3A_18, %dma_start3A] : memref<10240x128xf32, #tpu.memory_space<vmem_shared>> -> memref<40x128xf32, #tpu.memory_space<vmem_shared>>
    %dma_start3A_20 = arith.constant 0 : i32
    %dma_start3A_21 = tpu.memref_slice %arg24[%add3A_18, %dma_start3A_20] : memref<10240x128xf32, #tpu.memory_space<vmem_shared>> -> memref<40x128xf32, #tpu.memory_space<vmem_shared>>
    tpu.enqueue_dma source(%arg17 : memref<40x128xf32, #tpu.memory_space<vmem>>) target(%dma_start3A_21 : memref<40x128xf32, #tpu.memory_space<vmem_shared>>) target_semaphore(%arg26 : memref<!tpu.dma_semaphore, #tpu.memory_space<semaphore_mem>>)
    %add3A_22 = arith.constant 40 : i32
    %add3A_23 = arith.addi %mul3A_2, %add3A_22 : i32
    %dma_start3A_24 = arith.constant 0 : i32
    %dma_start3A_25 = tpu.memref_slice %arg24[%add3A_23, %dma_start3A_24] : memref<10240x128xf32, #tpu.memory_space<vmem_shared>> -> memref<40x128xf32, #tpu.memory_space<vmem_shared>>
    %dma_start3A_26 = arith.constant 0 : i32
    %dma_start3A_27 = tpu.memref_slice %arg24[%add3A_23, %dma_start3A_26] : memref<10240x128xf32, #tpu.memory_space<vmem_shared>> -> memref<40x128xf32, #tpu.memory_space<vmem_shared>>
    tpu.enqueue_dma source(%arg17 : memref<40x128xf32, #tpu.memory_space<vmem>>) target(%dma_start3A_27 : memref<40x128xf32, #tpu.memory_space<vmem_shared>>) target_semaphore(%arg26 : memref<!tpu.dma_semaphore, #tpu.memory_space<semaphore_mem>>)
    %add3A_28 = arith.constant 80 : i32
    %add3A_29 = arith.addi %mul3A_2, %add3A_28 : i32
    %dma_start3A_30 = arith.constant 0 : i32
    %dma_start3A_31 = tpu.memref_slice %arg24[%add3A_29, %dma_start3A_30] : memref<10240x128xf32, #tpu.memory_space<vmem_shared>> -> memref<40x128xf32, #tpu.memory_space<vmem_shared>>
    %dma_start3A_32 = arith.constant 0 : i32
    %dma_start3A_33 = tpu.memref_slice %arg24[%add3A_29, %dma_start3A_32] : memref<10240x128xf32, #tpu.memory_space<vmem_shared>> -> memref<40x128xf32, #tpu.memory_space<vmem_shared>>
    tpu.enqueue_dma source(%arg17 : memref<40x128xf32, #tpu.memory_space<vmem>>) target(%dma_start3A_33 : memref<40x128xf32, #tpu.memory_space<vmem_shared>>) target_semaphore(%arg26 : memref<!tpu.dma_semaphore, #tpu.memory_space<semaphore_mem>>)
    %add3A_34 = arith.constant 120 : i32
    %add3A_35 = arith.addi %mul3A_2, %add3A_34 : i32
    %dma_start3A_36 = arith.constant 0 : i32
    %dma_start3A_37 = tpu.memref_slice %arg24[%add3A_35, %dma_start3A_36] : memref<10240x128xf32, #tpu.memory_space<vmem_shared>> -> memref<40x128xf32, #tpu.memory_space<vmem_shared>>
    %dma_start3A_38 = arith.constant 0 : i32
    %dma_start3A_39 = tpu.memref_slice %arg24[%add3A_35, %dma_start3A_38] : memref<10240x128xf32, #tpu.memory_space<vmem_shared>> -> memref<40x128xf32, #tpu.memory_space<vmem_shared>>
    tpu.enqueue_dma source(%arg17 : memref<40x128xf32, #tpu.memory_space<vmem>>) target(%dma_start3A_39 : memref<40x128xf32, #tpu.memory_space<vmem_shared>>) target_semaphore(%arg26 : memref<!tpu.dma_semaphore, #tpu.memory_space<semaphore_mem>>)
    %add3A_40 = arith.constant 160 : i32
    %add3A_41 = arith.addi %mul3A_2, %add3A_40 : i32
    %dma_start3A_42 = arith.constant 0 : i32
    %dma_start3A_43 = tpu.memref_slice %arg24[%add3A_41, %dma_start3A_42] : memref<10240x128xf32, #tpu.memory_space<vmem_shared>> -> memref<40x128xf32, #tpu.memory_space<vmem_shared>>
    %dma_start3A_44 = arith.constant 0 : i32
    %dma_start3A_45 = tpu.memref_slice %arg24[%add3A_41, %dma_start3A_44] : memref<10240x128xf32, #tpu.memory_space<vmem_shared>> -> memref<40x128xf32, #tpu.memory_space<vmem_shared>>
    tpu.enqueue_dma source(%arg17 : memref<40x128xf32, #tpu.memory_space<vmem>>) target(%dma_start3A_45 : memref<40x128xf32, #tpu.memory_space<vmem_shared>>) target_semaphore(%arg26 : memref<!tpu.dma_semaphore, #tpu.memory_space<semaphore_mem>>)
    %add3A_46 = arith.constant 200 : i32
    %add3A_47 = arith.addi %mul3A_2, %add3A_46 : i32
    %dma_start3A_48 = arith.constant 0 : i32
    %dma_start3A_49 = tpu.memref_slice %arg24[%add3A_47, %dma_start3A_48] : memref<10240x128xf32, #tpu.memory_space<vmem_shared>> -> memref<40x128xf32, #tpu.memory_space<vmem_shared>>
    %dma_start3A_50 = arith.constant 0 : i32
    %dma_start3A_51 = tpu.memref_slice %arg24[%add3A_47, %dma_start3A_50] : memref<10240x128xf32, #tpu.memory_space<vmem_shared>> -> memref<40x128xf32, #tpu.memory_space<vmem_shared>>
    tpu.enqueue_dma source(%arg17 : memref<40x128xf32, #tpu.memory_space<vmem>>) target(%dma_start3A_51 : memref<40x128xf32, #tpu.memory_space<vmem_shared>>) target_semaphore(%arg26 : memref<!tpu.dma_semaphore, #tpu.memory_space<semaphore_mem>>)
    %add3A_52 = arith.constant 240 : i32
    %add3A_53 = arith.addi %mul3A_2, %add3A_52 : i32
    %dma_start3A_54 = arith.constant 0 : i32
    %dma_start3A_55 = tpu.memref_slice %arg24[%add3A_53, %dma_start3A_54] : memref<10240x128xf32, #tpu.memory_space<vmem_shared>> -> memref<40x128xf32, #tpu.memory_space<vmem_shared>>
    %dma_start3A_56 = arith.constant 0 : i32
    %dma_start3A_57 = tpu.memref_slice %arg24[%add3A_53, %dma_start3A_56] : memref<10240x128xf32, #tpu.memory_space<vmem_shared>> -> memref<40x128xf32, #tpu.memory_space<vmem_shared>>
    tpu.enqueue_dma source(%arg17 : memref<40x128xf32, #tpu.memory_space<vmem>>) target(%dma_start3A_57 : memref<40x128xf32, #tpu.memory_space<vmem_shared>>) target_semaphore(%arg26 : memref<!tpu.dma_semaphore, #tpu.memory_space<semaphore_mem>>)
    %add3A_58 = arith.constant 280 : i32
    %add3A_59 = arith.addi %mul3A_2, %add3A_58 : i32
    %dma_start3A_60 = arith.constant 0 : i32
    %dma_start3A_61 = tpu.memref_slice %arg24[%add3A_59, %dma_start3A_60] : memref<10240x128xf32, #tpu.memory_space<vmem_shared>> -> memref<40x128xf32, #tpu.memory_space<vmem_shared>>
    %dma_start3A_62 = arith.constant 0 : i32
    %dma_start3A_63 = tpu.memref_slice %arg24[%add3A_59, %dma_start3A_62] : memref<10240x128xf32, #tpu.memory_space<vmem_shared>> -> memref<40x128xf32, #tpu.memory_space<vmem_shared>>
    tpu.enqueue_dma source(%arg17 : memref<40x128xf32, #tpu.memory_space<vmem>>) target(%dma_start3A_63 : memref<40x128xf32, #tpu.memory_space<vmem_shared>>) target_semaphore(%arg26 : memref<!tpu.dma_semaphore, #tpu.memory_space<semaphore_mem>>)
    %add3A_64 = arith.constant 320 : i32
    %add3A_65 = arith.addi %mul3A_2, %add3A_64 : i32
    %dma_start3A_66 = arith.constant 0 : i32
    %dma_start3A_67 = tpu.memref_slice %arg24[%add3A_65, %dma_start3A_66] : memref<10240x128xf32, #tpu.memory_space<vmem_shared>> -> memref<40x128xf32, #tpu.memory_space<vmem_shared>>
    %dma_start3A_68 = arith.constant 0 : i32
    %dma_start3A_69 = tpu.memref_slice %arg24[%add3A_65, %dma_start3A_68] : memref<10240x128xf32, #tpu.memory_space<vmem_shared>> -> memref<40x128xf32, #tpu.memory_space<vmem_shared>>
    tpu.enqueue_dma source(%arg17 : memref<40x128xf32, #tpu.memory_space<vmem>>) target(%dma_start3A_69 : memref<40x128xf32, #tpu.memory_space<vmem_shared>>) target_semaphore(%arg26 : memref<!tpu.dma_semaphore, #tpu.memory_space<semaphore_mem>>)
    %add3A_70 = arith.constant 360 : i32
    %add3A_71 = arith.addi %mul3A_2, %add3A_70 : i32
    %dma_start3A_72 = arith.constant 0 : i32
    %dma_start3A_73 = tpu.memref_slice %arg24[%add3A_71, %dma_start3A_72] : memref<10240x128xf32, #tpu.memory_space<vmem_shared>> -> memref<40x128xf32, #tpu.memory_space<vmem_shared>>
    %dma_start3A_74 = arith.constant 0 : i32
    %dma_start3A_75 = tpu.memref_slice %arg24[%add3A_71, %dma_start3A_74] : memref<10240x128xf32, #tpu.memory_space<vmem_shared>> -> memref<40x128xf32, #tpu.memory_space<vmem_shared>>
    tpu.enqueue_dma source(%arg17 : memref<40x128xf32, #tpu.memory_space<vmem>>) target(%dma_start3A_75 : memref<40x128xf32, #tpu.memory_space<vmem_shared>>) target_semaphore(%arg26 : memref<!tpu.dma_semaphore, #tpu.memory_space<semaphore_mem>>)
    %add3A_76 = arith.constant 400 : i32
    %add3A_77 = arith.addi %mul3A_2, %add3A_76 : i32
    %dma_start3A_78 = arith.constant 0 : i32
    %dma_start3A_79 = tpu.memref_slice %arg24[%add3A_77, %dma_start3A_78] : memref<10240x128xf32, #tpu.memory_space<vmem_shared>> -> memref<40x128xf32, #tpu.memory_space<vmem_shared>>
    %dma_start3A_80 = arith.constant 0 : i32
    %dma_start3A_81 = tpu.memref_slice %arg24[%add3A_77, %dma_start3A_80] : memref<10240x128xf32, #tpu.memory_space<vmem_shared>> -> memref<40x128xf32, #tpu.memory_space<vmem_shared>>
    tpu.enqueue_dma source(%arg17 : memref<40x128xf32, #tpu.memory_space<vmem>>) target(%dma_start3A_81 : memref<40x128xf32, #tpu.memory_space<vmem_shared>>) target_semaphore(%arg26 : memref<!tpu.dma_semaphore, #tpu.memory_space<semaphore_mem>>)
    %add3A_82 = arith.constant 440 : i32
    %add3A_83 = arith.addi %mul3A_2, %add3A_82 : i32
    %dma_start3A_84 = arith.constant 0 : i32
    %dma_start3A_85 = tpu.memref_slice %arg24[%add3A_83, %dma_start3A_84] : memref<10240x128xf32, #tpu.memory_space<vmem_shared>> -> memref<40x128xf32, #tpu.memory_space<vmem_shared>>
    %dma_start3A_86 = arith.constant 0 : i32
    %dma_start3A_87 = tpu.memref_slice %arg24[%add3A_83, %dma_start3A_86] : memref<10240x128xf32, #tpu.memory_space<vmem_shared>> -> memref<40x128xf32, #tpu.memory_space<vmem_shared>>
    tpu.enqueue_dma source(%arg17 : memref<40x128xf32, #tpu.memory_space<vmem>>) target(%dma_start3A_87 : memref<40x128xf32, #tpu.memory_space<vmem_shared>>) target_semaphore(%arg26 : memref<!tpu.dma_semaphore, #tpu.memory_space<semaphore_mem>>)
    %add3A_88 = arith.constant 480 : i32
    %add3A_89 = arith.addi %mul3A_2, %add3A_88 : i32
    %dma_start3A_90 = arith.constant 0 : i32
    %dma_start3A_91 = tpu.memref_slice %arg24[%add3A_89, %dma_start3A_90] : memref<10240x128xf32, #tpu.memory_space<vmem_shared>> -> memref<40x128xf32, #tpu.memory_space<vmem_shared>>
    %dma_start3A_92 = arith.constant 0 : i32
    %dma_start3A_93 = tpu.memref_slice %arg24[%add3A_89, %dma_start3A_92] : memref<10240x128xf32, #tpu.memory_space<vmem_shared>> -> memref<40x128xf32, #tpu.memory_space<vmem_shared>>
    tpu.enqueue_dma source(%arg17 : memref<40x128xf32, #tpu.memory_space<vmem>>) target(%dma_start3A_93 : memref<40x128xf32, #tpu.memory_space<vmem_shared>>) target_semaphore(%arg26 : memref<!tpu.dma_semaphore, #tpu.memory_space<semaphore_mem>>)
    %add3A_94 = arith.constant 520 : i32
    %add3A_95 = arith.addi %mul3A_2, %add3A_94 : i32
    %dma_start3A_96 = arith.constant 0 : i32
    %dma_start3A_97 = tpu.memref_slice %arg24[%add3A_95, %dma_start3A_96] : memref<10240x128xf32, #tpu.memory_space<vmem_shared>> -> memref<40x128xf32, #tpu.memory_space<vmem_shared>>
    %dma_start3A_98 = arith.constant 0 : i32
    %dma_start3A_99 = tpu.memref_slice %arg24[%add3A_95, %dma_start3A_98] : memref<10240x128xf32, #tpu.memory_space<vmem_shared>> -> memref<40x128xf32, #tpu.memory_space<vmem_shared>>
    tpu.enqueue_dma source(%arg17 : memref<40x128xf32, #tpu.memory_space<vmem>>) target(%dma_start3A_99 : memref<40x128xf32, #tpu.memory_space<vmem_shared>>) target_semaphore(%arg26 : memref<!tpu.dma_semaphore, #tpu.memory_space<semaphore_mem>>)
    %add3A_100 = arith.constant 560 : i32
    %add3A_101 = arith.addi %mul3A_2, %add3A_100 : i32
    %dma_start3A_102 = arith.constant 0 : i32
    %dma_start3A_103 = tpu.memref_slice %arg24[%add3A_101, %dma_start3A_102] : memref<10240x128xf32, #tpu.memory_space<vmem_shared>> -> memref<40x128xf32, #tpu.memory_space<vmem_shared>>
    %dma_start3A_104 = arith.constant 0 : i32
    %dma_start3A_105 = tpu.memref_slice %arg24[%add3A_101, %dma_start3A_104] : memref<10240x128xf32, #tpu.memory_space<vmem_shared>> -> memref<40x128xf32, #tpu.memory_space<vmem_shared>>
    tpu.enqueue_dma source(%arg17 : memref<40x128xf32, #tpu.memory_space<vmem>>) target(%dma_start3A_105 : memref<40x128xf32, #tpu.memory_space<vmem_shared>>) target_semaphore(%arg26 : memref<!tpu.dma_semaphore, #tpu.memory_space<semaphore_mem>>)
    %add3A_106 = arith.constant 600 : i32
    %add3A_107 = arith.addi %mul3A_2, %add3A_106 : i32
    %dma_start3A_108 = arith.constant 0 : i32
    %dma_start3A_109 = tpu.memref_slice %arg24[%add3A_107, %dma_start3A_108] : memref<10240x128xf32, #tpu.memory_space<vmem_shared>> -> memref<40x128xf32, #tpu.memory_space<vmem_shared>>
    %dma_start3A_110 = arith.constant 0 : i32
    %dma_start3A_111 = tpu.memref_slice %arg24[%add3A_107, %dma_start3A_110] : memref<10240x128xf32, #tpu.memory_space<vmem_shared>> -> memref<40x128xf32, #tpu.memory_space<vmem_shared>>
    tpu.enqueue_dma source(%arg17 : memref<40x128xf32, #tpu.memory_space<vmem>>) target(%dma_start3A_111 : memref<40x128xf32, #tpu.memory_space<vmem_shared>>) target_semaphore(%arg26 : memref<!tpu.dma_semaphore, #tpu.memory_space<semaphore_mem>>)
    "tpu.region"() ({
      %run_scoped3A = tpu.sem_alloc : memref<!tpu.dma_semaphore, #tpu.memory_space<semaphore_mem>>
      %dma_start3A_440 = tpu.memref_slice %arg25[%mul3A_2] : memref<10240xf32, #tpu.memory_space<vmem_shared>> -> memref<640xf32, #tpu.memory_space<vmem_shared>>
      %dma_start3A_441 = tpu.memref_slice %arg25[%mul3A_2] : memref<10240xf32, #tpu.memory_space<vmem_shared>> -> memref<640xf32, #tpu.memory_space<vmem_shared>>
      tpu.enqueue_dma source(%arg23 : memref<640xf32, #tpu.memory_space<vmem>>) target(%dma_start3A_441 : memref<640xf32, #tpu.memory_space<vmem_shared>>) target_semaphore(%run_scoped3A : memref<!tpu.dma_semaphore, #tpu.memory_space<semaphore_mem>>)
      %dma_wait3A_442 = tpu.memref_slice %arg25[%mul3A_2] : memref<10240xf32, #tpu.memory_space<vmem_shared>> -> memref<640xf32, #tpu.memory_space<vmem_shared>>
      %dma_wait3A_443 = tpu.memref_slice %arg25[%mul3A_2] : memref<10240xf32, #tpu.memory_space<vmem_shared>> -> memref<640xf32, #tpu.memory_space<vmem_shared>>
      tpu.wait_dma2 semaphore(%run_scoped3A : memref<!tpu.dma_semaphore, #tpu.memory_space<semaphore_mem>>) src(%arg23 : memref<640xf32, #tpu.memory_space<vmem>>) dst(%dma_wait3A_443 : memref<640xf32, #tpu.memory_space<vmem_shared>>)
      tpu.yield
    }) : () -> ()
    %dma_wait3A = arith.constant 0 : i32
    %dma_wait3A_112 = tpu.memref_slice %arg24[%mul3A_2, %dma_wait3A] : memref<10240x128xf32, #tpu.memory_space<vmem_shared>> -> memref<40x128xf32, #tpu.memory_space<vmem_shared>>
    %dma_wait3A_113 = arith.constant 0 : i32
    %dma_wait3A_114 = tpu.memref_slice %arg24[%mul3A_2, %dma_wait3A_113] : memref<10240x128xf32, #tpu.memory_space<vmem_shared>> -> memref<40x128xf32, #tpu.memory_space<vmem_shared>>
    tpu.wait_dma2 semaphore(%arg26 : memref<!tpu.dma_semaphore, #tpu.memory_space<semaphore_mem>>) src(%arg17 : memref<40x128xf32, #tpu.memory_space<vmem>>) dst(%dma_wait3A_114 : memref<40x128xf32, #tpu.memory_space<vmem_shared>>)
    %dma_wait3A_115 = arith.constant 0 : i32
    %dma_wait3A_116 = tpu.memref_slice %arg24[%mul3A_2, %dma_wait3A_115] : memref<10240x128xf32, #tpu.memory_space<vmem_shared>> -> memref<40x128xf32, #tpu.memory_space<vmem_shared>>
    %dma_wait3A_117 = arith.constant 0 : i32
    %dma_wait3A_118 = tpu.memref_slice %arg24[%mul3A_2, %dma_wait3A_117] : memref<10240x128xf32, #tpu.memory_space<vmem_shared>> -> memref<40x128xf32, #tpu.memory_space<vmem_shared>>
    tpu.wait_dma2 semaphore(%arg26 : memref<!tpu.dma_semaphore, #tpu.memory_space<semaphore_mem>>) src(%arg17 : memref<40x128xf32, #tpu.memory_space<vmem>>) dst(%dma_wait3A_118 : memref<40x128xf32, #tpu.memory_space<vmem_shared>>)
    %dma_wait3A_119 = arith.constant 0 : i32
    %dma_wait3A_120 = tpu.memref_slice %arg24[%mul3A_2, %dma_wait3A_119] : memref<10240x128xf32, #tpu.memory_space<vmem_shared>> -> memref<40x128xf32, #tpu.memory_space<vmem_shared>>
    %dma_wait3A_121 = arith.constant 0 : i32
    %dma_wait3A_122 = tpu.memref_slice %arg24[%mul3A_2, %dma_wait3A_121] : memref<10240x128xf32, #tpu.memory_space<vmem_shared>> -> memref<40x128xf32, #tpu.memory_space<vmem_shared>>
    tpu.wait_dma2 semaphore(%arg26 : memref<!tpu.dma_semaphore, #tpu.memory_space<semaphore_mem>>) src(%arg17 : memref<40x128xf32, #tpu.memory_space<vmem>>) dst(%dma_wait3A_122 : memref<40x128xf32, #tpu.memory_space<vmem_shared>>)
    %dma_wait3A_123 = arith.constant 0 : i32
    %dma_wait3A_124 = tpu.memref_slice %arg24[%mul3A_2, %dma_wait3A_123] : memref<10240x128xf32, #tpu.memory_space<vmem_shared>> -> memref<40x128xf32, #tpu.memory_space<vmem_shared>>
    %dma_wait3A_125 = arith.constant 0 : i32
    %dma_wait3A_126 = tpu.memref_slice %arg24[%mul3A_2, %dma_wait3A_125] : memref<10240x128xf32, #tpu.memory_space<vmem_shared>> -> memref<40x128xf32, #tpu.memory_space<vmem_shared>>
    tpu.wait_dma2 semaphore(%arg26 : memref<!tpu.dma_semaphore, #tpu.memory_space<semaphore_mem>>) src(%arg17 : memref<40x128xf32, #tpu.memory_space<vmem>>) dst(%dma_wait3A_126 : memref<40x128xf32, #tpu.memory_space<vmem_shared>>)
    %dma_wait3A_127 = arith.constant 0 : i32
    %dma_wait3A_128 = tpu.memref_slice %arg24[%mul3A_2, %dma_wait3A_127] : memref<10240x128xf32, #tpu.memory_space<vmem_shared>> -> memref<40x128xf32, #tpu.memory_space<vmem_shared>>
    %dma_wait3A_129 = arith.constant 0 : i32
    %dma_wait3A_130 = tpu.memref_slice %arg24[%mul3A_2, %dma_wait3A_129] : memref<10240x128xf32, #tpu.memory_space<vmem_shared>> -> memref<40x128xf32, #tpu.memory_space<vmem_shared>>
    tpu.wait_dma2 semaphore(%arg26 : memref<!tpu.dma_semaphore, #tpu.memory_space<semaphore_mem>>) src(%arg17 : memref<40x128xf32, #tpu.memory_space<vmem>>) dst(%dma_wait3A_130 : memref<40x128xf32, #tpu.memory_space<vmem_shared>>)
    %dma_wait3A_131 = arith.constant 0 : i32
    %dma_wait3A_132 = tpu.memref_slice %arg24[%mul3A_2, %dma_wait3A_131] : memref<10240x128xf32, #tpu.memory_space<vmem_shared>> -> memref<40x128xf32, #tpu.memory_space<vmem_shared>>
    %dma_wait3A_133 = arith.constant 0 : i32
    %dma_wait3A_134 = tpu.memref_slice %arg24[%mul3A_2, %dma_wait3A_133] : memref<10240x128xf32, #tpu.memory_space<vmem_shared>> -> memref<40x128xf32, #tpu.memory_space<vmem_shared>>
    tpu.wait_dma2 semaphore(%arg26 : memref<!tpu.dma_semaphore, #tpu.memory_space<semaphore_mem>>) src(%arg17 : memref<40x128xf32, #tpu.memory_space<vmem>>) dst(%dma_wait3A_134 : memref<40x128xf32, #tpu.memory_space<vmem_shared>>)
    %dma_wait3A_135 = arith.constant 0 : i32
    %dma_wait3A_136 = tpu.memref_slice %arg24[%mul3A_2, %dma_wait3A_135] : memref<10240x128xf32, #tpu.memory_space<vmem_shared>> -> memref<40x128xf32, #tpu.memory_space<vmem_shared>>
    %dma_wait3A_137 = arith.constant 0 : i32
    %dma_wait3A_138 = tpu.memref_slice %arg24[%mul3A_2, %dma_wait3A_137] : memref<10240x128xf32, #tpu.memory_space<vmem_shared>> -> memref<40x128xf32, #tpu.memory_space<vmem_shared>>
    tpu.wait_dma2 semaphore(%arg26 : memref<!tpu.dma_semaphore, #tpu.memory_space<semaphore_mem>>) src(%arg17 : memref<40x128xf32, #tpu.memory_space<vmem>>) dst(%dma_wait3A_138 : memref<40x128xf32, #tpu.memory_space<vmem_shared>>)
    %dma_wait3A_139 = arith.constant 0 : i32
    %dma_wait3A_140 = tpu.memref_slice %arg24[%mul3A_2, %dma_wait3A_139] : memref<10240x128xf32, #tpu.memory_space<vmem_shared>> -> memref<40x128xf32, #tpu.memory_space<vmem_shared>>
    %dma_wait3A_141 = arith.constant 0 : i32
    %dma_wait3A_142 = tpu.memref_slice %arg24[%mul3A_2, %dma_wait3A_141] : memref<10240x128xf32, #tpu.memory_space<vmem_shared>> -> memref<40x128xf32, #tpu.memory_space<vmem_shared>>
    tpu.wait_dma2 semaphore(%arg26 : memref<!tpu.dma_semaphore, #tpu.memory_space<semaphore_mem>>) src(%arg17 : memref<40x128xf32, #tpu.memory_space<vmem>>) dst(%dma_wait3A_142 : memref<40x128xf32, #tpu.memory_space<vmem_shared>>)
    %dma_wait3A_143 = arith.constant 0 : i32
    %dma_wait3A_144 = tpu.memref_slice %arg24[%mul3A_2, %dma_wait3A_143] : memref<10240x128xf32, #tpu.memory_space<vmem_shared>> -> memref<40x128xf32, #tpu.memory_space<vmem_shared>>
    %dma_wait3A_145 = arith.constant 0 : i32
    %dma_wait3A_146 = tpu.memref_slice %arg24[%mul3A_2, %dma_wait3A_145] : memref<10240x128xf32, #tpu.memory_space<vmem_shared>> -> memref<40x128xf32, #tpu.memory_space<vmem_shared>>
    tpu.wait_dma2 semaphore(%arg26 : memref<!tpu.dma_semaphore, #tpu.memory_space<semaphore_mem>>) src(%arg17 : memref<40x128xf32, #tpu.memory_space<vmem>>) dst(%dma_wait3A_146 : memref<40x128xf32, #tpu.memory_space<vmem_shared>>)
    %dma_wait3A_147 = arith.constant 0 : i32
    %dma_wait3A_148 = tpu.memref_slice %arg24[%mul3A_2, %dma_wait3A_147] : memref<10240x128xf32, #tpu.memory_space<vmem_shared>> -> memref<40x128xf32, #tpu.memory_space<vmem_shared>>
    %dma_wait3A_149 = arith.constant 0 : i32
    %dma_wait3A_150 = tpu.memref_slice %arg24[%mul3A_2, %dma_wait3A_149] : memref<10240x128xf32, #tpu.memory_space<vmem_shared>> -> memref<40x128xf32, #tpu.memory_space<vmem_shared>>
    tpu.wait_dma2 semaphore(%arg26 : memref<!tpu.dma_semaphore, #tpu.memory_space<semaphore_mem>>) src(%arg17 : memref<40x128xf32, #tpu.memory_space<vmem>>) dst(%dma_wait3A_150 : memref<40x128xf32, #tpu.memory_space<vmem_shared>>)
    %dma_wait3A_151 = arith.constant 0 : i32
    %dma_wait3A_152 = tpu.memref_slice %arg24[%mul3A_2, %dma_wait3A_151] : memref<10240x128xf32, #tpu.memory_space<vmem_shared>> -> memref<40x128xf32, #tpu.memory_space<vmem_shared>>
    %dma_wait3A_153 = arith.constant 0 : i32
    %dma_wait3A_154 = tpu.memref_slice %arg24[%mul3A_2, %dma_wait3A_153] : memref<10240x128xf32, #tpu.memory_space<vmem_shared>> -> memref<40x128xf32, #tpu.memory_space<vmem_shared>>
    tpu.wait_dma2 semaphore(%arg26 : memref<!tpu.dma_semaphore, #tpu.memory_space<semaphore_mem>>) src(%arg17 : memref<40x128xf32, #tpu.memory_space<vmem>>) dst(%dma_wait3A_154 : memref<40x128xf32, #tpu.memory_space<vmem_shared>>)
    %dma_wait3A_155 = arith.constant 0 : i32
    %dma_wait3A_156 = tpu.memref_slice %arg24[%mul3A_2, %dma_wait3A_155] : memref<10240x128xf32, #tpu.memory_space<vmem_shared>> -> memref<40x128xf32, #tpu.memory_space<vmem_shared>>
    %dma_wait3A_157 = arith.constant 0 : i32
    %dma_wait3A_158 = tpu.memref_slice %arg24[%mul3A_2, %dma_wait3A_157] : memref<10240x128xf32, #tpu.memory_space<vmem_shared>> -> memref<40x128xf32, #tpu.memory_space<vmem_shared>>
    tpu.wait_dma2 semaphore(%arg26 : memref<!tpu.dma_semaphore, #tpu.memory_space<semaphore_mem>>) src(%arg17 : memref<40x128xf32, #tpu.memory_space<vmem>>) dst(%dma_wait3A_158 : memref<40x128xf32, #tpu.memory_space<vmem_shared>>)
    %dma_wait3A_159 = arith.constant 0 : i32
    %dma_wait3A_160 = tpu.memref_slice %arg24[%mul3A_2, %dma_wait3A_159] : memref<10240x128xf32, #tpu.memory_space<vmem_shared>> -> memref<40x128xf32, #tpu.memory_space<vmem_shared>>
    %dma_wait3A_161 = arith.constant 0 : i32
    %dma_wait3A_162 = tpu.memref_slice %arg24[%mul3A_2, %dma_wait3A_161] : memref<10240x128xf32, #tpu.memory_space<vmem_shared>> -> memref<40x128xf32, #tpu.memory_space<vmem_shared>>
    tpu.wait_dma2 semaphore(%arg26 : memref<!tpu.dma_semaphore, #tpu.memory_space<semaphore_mem>>) src(%arg17 : memref<40x128xf32, #tpu.memory_space<vmem>>) dst(%dma_wait3A_162 : memref<40x128xf32, #tpu.memory_space<vmem_shared>>)
    %dma_wait3A_163 = arith.constant 0 : i32
    %dma_wait3A_164 = tpu.memref_slice %arg24[%mul3A_2, %dma_wait3A_163] : memref<10240x128xf32, #tpu.memory_space<vmem_shared>> -> memref<40x128xf32, #tpu.memory_space<vmem_shared>>
    %dma_wait3A_165 = arith.constant 0 : i32
    %dma_wait3A_166 = tpu.memref_slice %arg24[%mul3A_2, %dma_wait3A_165] : memref<10240x128xf32, #tpu.memory_space<vmem_shared>> -> memref<40x128xf32, #tpu.memory_space<vmem_shared>>
    tpu.wait_dma2 semaphore(%arg26 : memref<!tpu.dma_semaphore, #tpu.memory_space<semaphore_mem>>) src(%arg17 : memref<40x128xf32, #tpu.memory_space<vmem>>) dst(%dma_wait3A_166 : memref<40x128xf32, #tpu.memory_space<vmem_shared>>)
    %dma_wait3A_167 = arith.constant 0 : i32
    %dma_wait3A_168 = tpu.memref_slice %arg24[%mul3A_2, %dma_wait3A_167] : memref<10240x128xf32, #tpu.memory_space<vmem_shared>> -> memref<40x128xf32, #tpu.memory_space<vmem_shared>>
    %dma_wait3A_169 = arith.constant 0 : i32
    %dma_wait3A_170 = tpu.memref_slice %arg24[%mul3A_2, %dma_wait3A_169] : memref<10240x128xf32, #tpu.memory_space<vmem_shared>> -> memref<40x128xf32, #tpu.memory_space<vmem_shared>>
    tpu.wait_dma2 semaphore(%arg26 : memref<!tpu.dma_semaphore, #tpu.memory_space<semaphore_mem>>) src(%arg17 : memref<40x128xf32, #tpu.memory_space<vmem>>) dst(%dma_wait3A_170 : memref<40x128xf32, #tpu.memory_space<vmem_shared>>)
    %dma_wait3A_171 = arith.constant 0 : i32
    %dma_wait3A_172 = tpu.memref_slice %arg24[%mul3A_2, %dma_wait3A_171] : memref<10240x128xf32, #tpu.memory_space<vmem_shared>> -> memref<40x128xf32, #tpu.memory_space<vmem_shared>>
    %dma_wait3A_173 = arith.constant 0 : i32
    %dma_wait3A_174 = tpu.memref_slice %arg24[%mul3A_2, %dma_wait3A_173] : memref<10240x128xf32, #tpu.memory_space<vmem_shared>> -> memref<40x128xf32, #tpu.memory_space<vmem_shared>>
    tpu.wait_dma2 semaphore(%arg26 : memref<!tpu.dma_semaphore, #tpu.memory_space<semaphore_mem>>) src(%arg17 : memref<40x128xf32, #tpu.memory_space<vmem>>) dst(%dma_wait3A_174 : memref<40x128xf32, #tpu.memory_space<vmem_shared>>)
    %broadcast_in_dim3A_175 = arith.constant 1.000000e+00 : f32
    %broadcast_in_dim3A_176 = vector.broadcast %broadcast_in_dim3A_175 : f32 to vector<16xf32>
    %swap3A = arith.constant 0 : index
    %swap3A_177 = tpu.vector_load %arg22[%swap3A] {strides = array<i32>} : memref<40xf32, #tpu.memory_space<vmem>>, vector<16xf32>,
    %swap3A_178 = vector.shape_cast %swap3A_177 : vector<16xf32> to vector<16xf32>
    %swap3A_179 = vector.shape_cast %broadcast_in_dim3A_176 : vector<16xf32> to vector<16xf32>
    tpu.vector_store %arg22[%swap3A], %swap3A_179 {strides = array<i32>} : memref<40xf32, #tpu.memory_space<vmem>>, vector<16xf32>,
    %broadcast_in_dim3A_180 = arith.constant 1.000000e+00 : f32
    %broadcast_in_dim3A_181 = vector.broadcast %broadcast_in_dim3A_180 : f32 to vector<16xf32>
    %swap3A_182 = arith.constant 16 : index
    %swap3A_183 = tpu.vector_load %arg22[%swap3A_182] {strides = array<i32>} : memref<40xf32, #tpu.memory_space<vmem>>, vector<16xf32>,
    %swap3A_184 = vector.shape_cast %swap3A_183 : vector<16xf32> to vector<16xf32>
    %swap3A_185 = vector.shape_cast %broadcast_in_dim3A_181 : vector<16xf32> to vector<16xf32>
    tpu.vector_store %arg22[%swap3A_182], %swap3A_185 {strides = array<i32>} : memref<40xf32, #tpu.memory_space<vmem>>, vector<16xf32>,
    %broadcast_in_dim3A_186 = arith.constant 1.000000e+00 : f32
    %broadcast_in_dim3A_187 = vector.broadcast %broadcast_in_dim3A_186 : f32 to vector<16xf32>
    %swap3A_188 = arith.constant 24 : index
    %swap3A_189 = tpu.vector_load %arg22[%swap3A_188] {strides = array<i32>} : memref<40xf32, #tpu.memory_space<vmem>>, vector<16xf32>,
    %swap3A_190 = vector.shape_cast %swap3A_189 : vector<16xf32> to vector<16xf32>
    %swap3A_191 = vector.shape_cast %broadcast_in_dim3A_187 : vector<16xf32> to vector<16xf32>
    tpu.vector_store %arg22[%swap3A_188], %swap3A_191 {strides = array<i32>} : memref<40xf32, #tpu.memory_space<vmem>>, vector<16xf32>,
    %broadcast_in_dim3A_192 = arith.constant 16383 : i32
    %broadcast_in_dim3A_193 = vector.broadcast %broadcast_in_dim3A_192 : i32 to vector<16xi32>
    %get3A = arith.constant 0 : index
    %get3A_194 = tpu.vector_load %arg6[%get3A] {strides = array<i32>} : memref<10000xi32, #tpu.memory_space<vmem>>, vector<16xi32>,
    %get3A_195 = vector.shape_cast %get3A_194 : vector<16xi32> to vector<16xi32>
    %and3A = arith.andi %get3A_195, %broadcast_in_dim3A_193 : vector<16xi32>
    %swap3A_196 = arith.constant 0 : index
    %swap3A_197 = tpu.vector_load %arg7[%swap3A_196] {strides = array<i32>} : memref<40xi32, #tpu.memory_space<vmem>>, vector<16xi32>,
    %swap3A_198 = vector.shape_cast %swap3A_197 : vector<16xi32> to vector<16xi32>
    %swap3A_199 = vector.shape_cast %and3A : vector<16xi32> to vector<16xi32>
    tpu.vector_store %arg7[%swap3A_196], %swap3A_199 {strides = array<i32>} : memref<40xi32, #tpu.memory_space<vmem>>, vector<16xi32>,
    %shift_right_logical3A = arith.constant 14 : i32
    %shift_right_logical3A_200 = vector.broadcast %shift_right_logical3A : i32 to vector<16xi32>
    %shift_right_logical3A_201 = arith.shrui %get3A_195, %shift_right_logical3A_200 : vector<16xi32>
    %swap3A_202 = arith.constant 0 : index
    %swap3A_203 = tpu.vector_load %arg12[%swap3A_202] {strides = array<i32>} : memref<40xi32, #tpu.memory_space<vmem>>, vector<16xi32>,
    %swap3A_204 = vector.shape_cast %swap3A_203 : vector<16xi32> to vector<16xi32>
    %swap3A_205 = vector.shape_cast %shift_right_logical3A_201 : vector<16xi32> to vector<16xi32>
    tpu.vector_store %arg12[%swap3A_202], %swap3A_205 {strides = array<i32>} : memref<40xi32, #tpu.memory_space<vmem>>, vector<16xi32>,
    %get3A_206 = arith.constant 16 : index
    %get3A_207 = tpu.vector_load %arg6[%get3A_206] {strides = array<i32>} : memref<10000xi32, #tpu.memory_space<vmem>>, vector<16xi32>,
    %get3A_208 = vector.shape_cast %get3A_207 : vector<16xi32> to vector<16xi32>
    %and3A_209 = arith.andi %get3A_208, %broadcast_in_dim3A_193 : vector<16xi32>
    %swap3A_210 = arith.constant 16 : index
    %swap3A_211 = tpu.vector_load %arg7[%swap3A_210] {strides = array<i32>} : memref<40xi32, #tpu.memory_space<vmem>>, vector<16xi32>,
    %swap3A_212 = vector.shape_cast %swap3A_211 : vector<16xi32> to vector<16xi32>
    %swap3A_213 = vector.shape_cast %and3A_209 : vector<16xi32> to vector<16xi32>
    tpu.vector_store %arg7[%swap3A_210], %swap3A_213 {strides = array<i32>} : memref<40xi32, #tpu.memory_space<vmem>>, vector<16xi32>,
    %shift_right_logical3A_214 = arith.constant 14 : i32
    %shift_right_logical3A_215 = vector.broadcast %shift_right_logical3A_214 : i32 to vector<16xi32>
    %shift_right_logical3A_216 = arith.shrui %get3A_208, %shift_right_logical3A_215 : vector<16xi32>
    %swap3A_217 = arith.constant 16 : index
    %swap3A_218 = tpu.vector_load %arg12[%swap3A_217] {strides = array<i32>} : memref<40xi32, #tpu.memory_space<vmem>>, vector<16xi32>,
    %swap3A_219 = vector.shape_cast %swap3A_218 : vector<16xi32> to vector<16xi32>
    %swap3A_220 = vector.shape_cast %shift_right_logical3A_216 : vector<16xi32> to vector<16xi32>
    tpu.vector_store %arg12[%swap3A_217], %swap3A_220 {strides = array<i32>} : memref<40xi32, #tpu.memory_space<vmem>>, vector<16xi32>,
    %get3A_221 = arith.constant 24 : index
    %get3A_222 = tpu.vector_load %arg6[%get3A_221] {strides = array<i32>} : memref<10000xi32, #tpu.memory_space<vmem>>, vector<16xi32>,
    %get3A_223 = vector.shape_cast %get3A_222 : vector<16xi32> to vector<16xi32>
    %and3A_224 = arith.andi %get3A_223, %broadcast_in_dim3A_193 : vector<16xi32>
    %swap3A_225 = arith.constant 24 : index
    %swap3A_226 = tpu.vector_load %arg7[%swap3A_225] {strides = array<i32>} : memref<40xi32, #tpu.memory_space<vmem>>, vector<16xi32>,
    %swap3A_227 = vector.shape_cast %swap3A_226 : vector<16xi32> to vector<16xi32>
    %swap3A_228 = vector.shape_cast %and3A_224 : vector<16xi32> to vector<16xi32>
    tpu.vector_store %arg7[%swap3A_225], %swap3A_228 {strides = array<i32>} : memref<40xi32, #tpu.memory_space<vmem>>, vector<16xi32>,
    %shift_right_logical3A_229 = arith.constant 14 : i32
    %shift_right_logical3A_230 = vector.broadcast %shift_right_logical3A_229 : i32 to vector<16xi32>
    %shift_right_logical3A_231 = arith.shrui %get3A_223, %shift_right_logical3A_230 : vector<16xi32>
    %swap3A_232 = arith.constant 24 : index
    %swap3A_233 = tpu.vector_load %arg12[%swap3A_232] {strides = array<i32>} : memref<40xi32, #tpu.memory_space<vmem>>, vector<16xi32>,
    %swap3A_234 = vector.shape_cast %swap3A_233 : vector<16xi32> to vector<16xi32>
    %swap3A_235 = vector.shape_cast %shift_right_logical3A_231 : vector<16xi32> to vector<16xi32>
    tpu.vector_store %arg12[%swap3A_232], %swap3A_235 {strides = array<i32>} : memref<40xi32, #tpu.memory_space<vmem>>, vector<16xi32>,
    %get3A_236 = arith.constant 40 : index
    %get3A_237 = tpu.vector_load %arg6[%get3A_236] {strides = array<i32>} : memref<10000xi32, #tpu.memory_space<vmem>>, vector<16xi32>,
    %get3A_238 = vector.shape_cast %get3A_237 : vector<16xi32> to vector<16xi32>
    %and3A_239 = arith.andi %get3A_238, %broadcast_in_dim3A_193 : vector<16xi32>
    %swap3A_240 = arith.constant 0 : index
    %swap3A_241 = tpu.vector_load %arg8[%swap3A_240] {strides = array<i32>} : memref<40xi32, #tpu.memory_space<vmem>>, vector<16xi32>,
    %swap3A_242 = vector.shape_cast %swap3A_241 : vector<16xi32> to vector<16xi32>
    %swap3A_243 = vector.shape_cast %and3A_239 : vector<16xi32> to vector<16xi32>
    tpu.vector_store %arg8[%swap3A_240], %swap3A_243 {strides = array<i32>} : memref<40xi32, #tpu.memory_space<vmem>>, vector<16xi32>,
    %shift_right_logical3A_244 = arith.constant 14 : i32
    %shift_right_logical3A_245 = vector.broadcast %shift_right_logical3A_244 : i32 to vector<16xi32>
    %shift_right_logical3A_246 = arith.shrui %get3A_238, %shift_right_logical3A_245 : vector<16xi32>
    %swap3A_247 = arith.constant 0 : index
    %swap3A_248 = tpu.vector_load %arg13[%swap3A_247] {strides = array<i32>} : memref<40xi32, #tpu.memory_space<vmem>>, vector<16xi32>,
    %swap3A_249 = vector.shape_cast %swap3A_248 : vector<16xi32> to vector<16xi32>
    %swap3A_250 = vector.shape_cast %shift_right_logical3A_246 : vector<16xi32> to vector<16xi32>
    tpu.vector_store %arg13[%swap3A_247], %swap3A_250 {strides = array<i32>} : memref<40xi32, #tpu.memory_space<vmem>>, vector<16xi32>,
    %get3A_251 = arith.constant 56 : index
    %get3A_252 = tpu.vector_load %arg6[%get3A_251] {strides = array<i32>} : memref<10000xi32, #tpu.memory_space<vmem>>, vector<16xi32>,
    %get3A_253 = vector.shape_cast %get3A_252 : vector<16xi32> to vector<16xi32>
    %and3A_254 = arith.andi %get3A_253, %broadcast_in_dim3A_193 : vector<16xi32>
    %swap3A_255 = arith.constant 16 : index
    %swap3A_256 = tpu.vector_load %arg8[%swap3A_255] {strides = array<i32>} : memref<40xi32, #tpu.memory_space<vmem>>, vector<16xi32>,
    %swap3A_257 = vector.shape_cast %swap3A_256 : vector<16xi32> to vector<16xi32>
    %swap3A_258 = vector.shape_cast %and3A_254 : vector<16xi32> to vector<16xi32>
    tpu.vector_store %arg8[%swap3A_255], %swap3A_258 {strides = array<i32>} : memref<40xi32, #tpu.memory_space<vmem>>, vector<16xi32>,
    %shift_right_logical3A_259 = arith.constant 14 : i32
    %shift_right_logical3A_260 = vector.broadcast %shift_right_logical3A_259 : i32 to vector<16xi32>
    %shift_right_logical3A_261 = arith.shrui %get3A_253, %shift_right_logical3A_260 : vector<16xi32>
    %swap3A_262 = arith.constant 16 : index
    %swap3A_263 = tpu.vector_load %arg13[%swap3A_262] {strides = array<i32>} : memref<40xi32, #tpu.memory_space<vmem>>, vector<16xi32>,
    %swap3A_264 = vector.shape_cast %swap3A_263 : vector<16xi32> to vector<16xi32>
    %swap3A_265 = vector.shape_cast %shift_right_logical3A_261 : vector<16xi32> to vector<16xi32>
    tpu.vector_store %arg13[%swap3A_262], %swap3A_265 {strides = array<i32>} : memref<40xi32, #tpu.memory_space<vmem>>, vector<16xi32>,
    %get3A_266 = arith.constant 64 : index
    %get3A_267 = tpu.vector_load %arg6[%get3A_266] {strides = array<i32>} : memref<10000xi32, #tpu.memory_space<vmem>>, vector<16xi32>,
    %get3A_268 = vector.shape_cast %get3A_267 : vector<16xi32> to vector<16xi32>
    %and3A_269 = arith.andi %get3A_268, %broadcast_in_dim3A_193 : vector<16xi32>
    %swap3A_270 = arith.constant 24 : index
    %swap3A_271 = tpu.vector_load %arg8[%swap3A_270] {strides = array<i32>} : memref<40xi32, #tpu.memory_space<vmem>>, vector<16xi32>,
    %swap3A_272 = vector.shape_cast %swap3A_271 : vector<16xi32> to vector<16xi32>
    %swap3A_273 = vector.shape_cast %and3A_269 : vector<16xi32> to vector<16xi32>
    tpu.vector_store %arg8[%swap3A_270], %swap3A_273 {strides = array<i32>} : memref<40xi32, #tpu.memory_space<vmem>>, vector<16xi32>,
    %shift_right_logical3A_274 = arith.constant 14 : i32
    %shift_right_logical3A_275 = vector.broadcast %shift_right_logical3A_274 : i32 to vector<16xi32>
    %shift_right_logical3A_276 = arith.shrui %get3A_268, %shift_right_logical3A_275 : vector<16xi32>
    %swap3A_277 = arith.constant 24 : index
    %swap3A_278 = tpu.vector_load %arg13[%swap3A_277] {strides = array<i32>} : memref<40xi32, #tpu.memory_space<vmem>>, vector<16xi32>,
    %swap3A_279 = vector.shape_cast %swap3A_278 : vector<16xi32> to vector<16xi32>
    %swap3A_280 = vector.shape_cast %shift_right_logical3A_276 : vector<16xi32> to vector<16xi32>
    tpu.vector_store %arg13[%swap3A_277], %swap3A_280 {strides = array<i32>} : memref<40xi32, #tpu.memory_space<vmem>>, vector<16xi32>,
    %get3A_281 = arith.constant 80 : index
    %get3A_282 = tpu.vector_load %arg6[%get3A_281] {strides = array<i32>} : memref<10000xi32, #tpu.memory_space<vmem>>, vector<16xi32>,
    %get3A_283 = vector.shape_cast %get3A_282 : vector<16xi32> to vector<16xi32>
    %and3A_284 = arith.andi %get3A_283, %broadcast_in_dim3A_193 : vector<16xi32>
    %swap3A_285 = arith.constant 0 : index
    %swap3A_286 = tpu.vector_load %arg9[%swap3A_285] {strides = array<i32>} : memref<40xi32, #tpu.memory_space<vmem>>, vector<16xi32>,
    %swap3A_287 = vector.shape_cast %swap3A_286 : vector<16xi32> to vector<16xi32>
    %swap3A_288 = vector.shape_cast %and3A_284 : vector<16xi32> to vector<16xi32>
    tpu.vector_store %arg9[%swap3A_285], %swap3A_288 {strides = array<i32>} : memref<40xi32, #tpu.memory_space<vmem>>, vector<16xi32>,
    %shift_right_logical3A_289 = arith.constant 14 : i32
    %shift_right_logical3A_290 = vector.broadcast %shift_right_logical3A_289 : i32 to vector<16xi32>
    %shift_right_logical3A_291 = arith.shrui %get3A_283, %shift_right_logical3A_290 : vector<16xi32>
    %swap3A_292 = arith.constant 0 : index
    %swap3A_293 = tpu.vector_load %arg14[%swap3A_292] {strides = array<i32>} : memref<40xi32, #tpu.memory_space<vmem>>, vector<16xi32>,
    %swap3A_294 = vector.shape_cast %swap3A_293 : vector<16xi32> to vector<16xi32>
    %swap3A_295 = vector.shape_cast %shift_right_logical3A_291 : vector<16xi32> to vector<16xi32>
    tpu.vector_store %arg14[%swap3A_292], %swap3A_295 {strides = array<i32>} : memref<40xi32, #tpu.memory_space<vmem>>, vector<16xi32>,
    %get3A_296 = arith.constant 96 : index
    %get3A_297 = tpu.vector_load %arg6[%get3A_296] {strides = array<i32>} : memref<10000xi32, #tpu.memory_space<vmem>>, vector<16xi32>,
    %get3A_298 = vector.shape_cast %get3A_297 : vector<16xi32> to vector<16xi32>
    %and3A_299 = arith.andi %get3A_298, %broadcast_in_dim3A_193 : vector<16xi32>
    %swap3A_300 = arith.constant 16 : index
    %swap3A_301 = tpu.vector_load %arg9[%swap3A_300] {strides = array<i32>} : memref<40xi32, #tpu.memory_space<vmem>>, vector<16xi32>,
    %swap3A_302 = vector.shape_cast %swap3A_301 : vector<16xi32> to vector<16xi32>
    %swap3A_303 = vector.shape_cast %and3A_299 : vector<16xi32> to vector<16xi32>
    tpu.vector_store %arg9[%swap3A_300], %swap3A_303 {strides = array<i32>} : memref<40xi32, #tpu.memory_space<vmem>>, vector<16xi32>,
    %shift_right_logical3A_304 = arith.constant 14 : i32
    %shift_right_logical3A_305 = vector.broadcast %shift_right_logical3A_304 : i32 to vector<16xi32>
    %shift_right_logical3A_306 = arith.shrui %get3A_298, %shift_right_logical3A_305 : vector<16xi32>
    %swap3A_307 = arith.constant 16 : index
    %swap3A_308 = tpu.vector_load %arg14[%swap3A_307] {strides = array<i32>} : memref<40xi32, #tpu.memory_space<vmem>>, vector<16xi32>,
    %swap3A_309 = vector.shape_cast %swap3A_308 : vector<16xi32> to vector<16xi32>
    %swap3A_310 = vector.shape_cast %shift_right_logical3A_306 : vector<16xi32> to vector<16xi32>
    tpu.vector_store %arg14[%swap3A_307], %swap3A_310 {strides = array<i32>} : memref<40xi32, #tpu.memory_space<vmem>>, vector<16xi32>,
    %get3A_311 = arith.constant 104 : index
    %get3A_312 = tpu.vector_load %arg6[%get3A_311] {strides = array<i32>} : memref<10000xi32, #tpu.memory_space<vmem>>, vector<16xi32>,
    %get3A_313 = vector.shape_cast %get3A_312 : vector<16xi32> to vector<16xi32>
    %and3A_314 = arith.andi %get3A_313, %broadcast_in_dim3A_193 : vector<16xi32>
    %swap3A_315 = arith.constant 24 : index
    %swap3A_316 = tpu.vector_load %arg9[%swap3A_315] {strides = array<i32>} : memref<40xi32, #tpu.memory_space<vmem>>, vector<16xi32>,
    %swap3A_317 = vector.shape_cast %swap3A_316 : vector<16xi32> to vector<16xi32>
    %swap3A_318 = vector.shape_cast %and3A_314 : vector<16xi32> to vector<16xi32>
    tpu.vector_store %arg9[%swap3A_315], %swap3A_318 {strides = array<i32>} : memref<40xi32, #tpu.memory_space<vmem>>, vector<16xi32>,
    %shift_right_logical3A_319 = arith.constant 14 : i32
    %shift_right_logical3A_320 = vector.broadcast %shift_right_logical3A_319 : i32 to vector<16xi32>
    %shift_right_logical3A_321 = arith.shrui %get3A_313, %shift_right_logical3A_320 : vector<16xi32>
    %swap3A_322 = arith.constant 24 : index
    %swap3A_323 = tpu.vector_load %arg14[%swap3A_322] {strides = array<i32>} : memref<40xi32, #tpu.memory_space<vmem>>, vector<16xi32>,
    %swap3A_324 = vector.shape_cast %swap3A_323 : vector<16xi32> to vector<16xi32>
    %swap3A_325 = vector.shape_cast %shift_right_logical3A_321 : vector<16xi32> to vector<16xi32>
    tpu.vector_store %arg14[%swap3A_322], %swap3A_325 {strides = array<i32>} : memref<40xi32, #tpu.memory_space<vmem>>, vector<16xi32>,
    %get3A_326 = arith.constant 120 : index
    %get3A_327 = tpu.vector_load %arg6[%get3A_326] {strides = array<i32>} : memref<10000xi32, #tpu.memory_space<vmem>>, vector<16xi32>,
    %get3A_328 = vector.shape_cast %get3A_327 : vector<16xi32> to vector<16xi32>
    %and3A_329 = arith.andi %get3A_328, %broadcast_in_dim3A_193 : vector<16xi32>
    %swap3A_330 = arith.constant 0 : index
    %swap3A_331 = tpu.vector_load %arg10[%swap3A_330] {strides = array<i32>} : memref<40xi32, #tpu.memory_space<vmem>>, vector<16xi32>,
    %swap3A_332 = vector.shape_cast %swap3A_331 : vector<16xi32> to vector<16xi32>
    %swap3A_333 = vector.shape_cast %and3A_329 : vector<16xi32> to vector<16xi32>
    tpu.vector_store %arg10[%swap3A_330], %swap3A_333 {strides = array<i32>} : memref<40xi32, #tpu.memory_space<vmem>>, vector<16xi32>,
    %shift_right_logical3A_334 = arith.constant 14 : i32
    %shift_right_logical3A_335 = vector.broadcast %shift_right_logical3A_334 : i32 to vector<16xi32>
    %shift_right_logical3A_336 = arith.shrui %get3A_328, %shift_right_logical3A_335 : vector<16xi32>
    %swap3A_337 = arith.constant 0 : index
    %swap3A_338 = tpu.vector_load %arg15[%swap3A_337] {strides = array<i32>} : memref<40xi32, #tpu.memory_space<vmem>>, vector<16xi32>,
    %swap3A_339 = vector.shape_cast %swap3A_338 : vector<16xi32> to vector<16xi32>
    %swap3A_340 = vector.shape_cast %shift_right_logical3A_336 : vector<16xi32> to vector<16xi32>
    tpu.vector_store %arg15[%swap3A_337], %swap3A_340 {strides = array<i32>} : memref<40xi32, #tpu.memory_space<vmem>>, vector<16xi32>,
    %get3A_341 = arith.constant 136 : index
    %get3A_342 = tpu.vector_load %arg6[%get3A_341] {strides = array<i32>} : memref<10000xi32, #tpu.memory_space<vmem>>, vector<16xi32>,
    %get3A_343 = vector.shape_cast %get3A_342 : vector<16xi32> to vector<16xi32>
    %and3A_344 = arith.andi %get3A_343, %broadcast_in_dim3A_193 : vector<16xi32>
    %swap3A_345 = arith.constant 16 : index
    %swap3A_346 = tpu.vector_load %arg10[%swap3A_345] {strides = array<i32>} : memref<40xi32, #tpu.memory_space<vmem>>, vector<16xi32>,
    %swap3A_347 = vector.shape_cast %swap3A_346 : vector<16xi32> to vector<16xi32>
    %swap3A_348 = vector.shape_cast %and3A_344 : vector<16xi32> to vector<16xi32>
    tpu.vector_store %arg10[%swap3A_345], %swap3A_348 {strides = array<i32>} : memref<40xi32, #tpu.memory_space<vmem>>, vector<16xi32>,
    %shift_right_logical3A_349 = arith.constant 14 : i32
    %shift_right_logical3A_350 = vector.broadcast %shift_right_logical3A_349 : i32 to vector<16xi32>
    %shift_right_logical3A_351 = arith.shrui %get3A_343, %shift_right_logical3A_350 : vector<16xi32>
    %swap3A_352 = arith.constant 16 : index
    %swap3A_353 = tpu.vector_load %arg15[%swap3A_352] {strides = array<i32>} : memref<40xi32, #tpu.memory_space<vmem>>, vector<16xi32>,
    %swap3A_354 = vector.shape_cast %swap3A_353 : vector<16xi32> to vector<16xi32>
    %swap3A_355 = vector.shape_cast %shift_right_logical3A_351 : vector<16xi32> to vector<16xi32>
    tpu.vector_store %arg15[%swap3A_352], %swap3A_355 {strides = array<i32>} : memref<40xi32, #tpu.memory_space<vmem>>, vector<16xi32>,
    %get3A_356 = arith.constant 144 : index
    %get3A_357 = tpu.vector_load %arg6[%get3A_356] {strides = array<i32>} : memref<10000xi32, #tpu.memory_space<vmem>>, vector<16xi32>,
    %get3A_358 = vector.shape_cast %get3A_357 : vector<16xi32> to vector<16xi32>
    %and3A_359 = arith.andi %get3A_358, %broadcast_in_dim3A_193 : vector<16xi32>
    %swap3A_360 = arith.constant 24 : index
    %swap3A_361 = tpu.vector_load %arg10[%swap3A_360] {strides = array<i32>} : memref<40xi32, #tpu.memory_space<vmem>>, vector<16xi32>,
    %swap3A_362 = vector.shape_cast %swap3A_361 : vector<16xi32> to vector<16xi32>
    %swap3A_363 = vector.shape_cast %and3A_359 : vector<16xi32> to vector<16xi32>
    tpu.vector_store %arg10[%swap3A_360], %swap3A_363 {strides = array<i32>} : memref<40xi32, #tpu.memory_space<vmem>>, vector<16xi32>,
    %shift_right_logical3A_364 = arith.constant 14 : i32
    %shift_right_logical3A_365 = vector.broadcast %shift_right_logical3A_364 : i32 to vector<16xi32>
    %shift_right_logical3A_366 = arith.shrui %get3A_358, %shift_right_logical3A_365 : vector<16xi32>
    %swap3A_367 = arith.constant 24 : index
    %swap3A_368 = tpu.vector_load %arg15[%swap3A_367] {strides = array<i32>} : memref<40xi32, #tpu.memory_space<vmem>>, vector<16xi32>,
    %swap3A_369 = vector.shape_cast %swap3A_368 : vector<16xi32> to vector<16xi32>
    %swap3A_370 = vector.shape_cast %shift_right_logical3A_366 : vector<16xi32> to vector<16xi32>
    tpu.vector_store %arg15[%swap3A_367], %swap3A_370 {strides = array<i32>} : memref<40xi32, #tpu.memory_space<vmem>>, vector<16xi32>,
    %get3A_371 = arith.constant 160 : index
    %get3A_372 = tpu.vector_load %arg6[%get3A_371] {strides = array<i32>} : memref<10000xi32, #tpu.memory_space<vmem>>, vector<16xi32>,
    %get3A_373 = vector.shape_cast %get3A_372 : vector<16xi32> to vector<16xi32>
    %and3A_374 = arith.andi %get3A_373, %broadcast_in_dim3A_193 : vector<16xi32>
    %swap3A_375 = arith.constant 0 : index
    %swap3A_376 = tpu.vector_load %arg11[%swap3A_375] {strides = array<i32>} : memref<40xi32, #tpu.memory_space<vmem>>, vector<16xi32>,
    %swap3A_377 = vector.shape_cast %swap3A_376 : vector<16xi32> to vector<16xi32>
    %swap3A_378 = vector.shape_cast %and3A_374 : vector<16xi32> to vector<16xi32>
    tpu.vector_store %arg11[%swap3A_375], %swap3A_378 {strides = array<i32>} : memref<40xi32, #tpu.memory_space<vmem>>, vector<16xi32>,
    %shift_right_logical3A_379 = arith.constant 14 : i32
    %shift_right_logical3A_380 = vector.broadcast %shift_right_logical3A_379 : i32 to vector<16xi32>
    %shift_right_logical3A_381 = arith.shrui %get3A_373, %shift_right_logical3A_380 : vector<16xi32>
    %swap3A_382 = arith.constant 0 : index
    %swap3A_383 = tpu.vector_load %arg16[%swap3A_382] {strides = array<i32>} : memref<40xi32, #tpu.memory_space<vmem>>, vector<16xi32>,
    %swap3A_384 = vector.shape_cast %swap3A_383 : vector<16xi32> to vector<16xi32>
    %swap3A_385 = vector.shape_cast %shift_right_logical3A_381 : vector<16xi32> to vector<16xi32>
    tpu.vector_store %arg16[%swap3A_382], %swap3A_385 {strides = array<i32>} : memref<40xi32, #tpu.memory_space<vmem>>, vector<16xi32>,
    %get3A_386 = arith.constant 176 : index
    %get3A_387 = tpu.vector_load %arg6[%get3A_386] {strides = array<i32>} : memref<10000xi32, #tpu.memory_space<vmem>>, vector<16xi32>,
    %get3A_388 = vector.shape_cast %get3A_387 : vector<16xi32> to vector<16xi32>
    %and3A_389 = arith.andi %get3A_388, %broadcast_in_dim3A_193 : vector<16xi32>
    %swap3A_390 = arith.constant 16 : index
    %swap3A_391 = tpu.vector_load %arg11[%swap3A_390] {strides = array<i32>} : memref<40xi32, #tpu.memory_space<vmem>>, vector<16xi32>,
    %swap3A_392 = vector.shape_cast %swap3A_391 : vector<16xi32> to vector<16xi32>
    %swap3A_393 = vector.shape_cast %and3A_389 : vector<16xi32> to vector<16xi32>
    tpu.vector_store %arg11[%swap3A_390], %swap3A_393 {strides = array<i32>} : memref<40xi32, #tpu.memory_space<vmem>>, vector<16xi32>,
    %shift_right_logical3A_394 = arith.constant 14 : i32
    %shift_right_logical3A_395 = vector.broadcast %shift_right_logical3A_394 : i32 to vector<16xi32>
    %shift_right_logical3A_396 = arith.shrui %get3A_388, %shift_right_logical3A_395 : vector<16xi32>
    %swap3A_397 = arith.constant 16 : index
    %swap3A_398 = tpu.vector_load %arg16[%swap3A_397] {strides = array<i32>} : memref<40xi32, #tpu.memory_space<vmem>>, vector<16xi32>,
    %swap3A_399 = vector.shape_cast %swap3A_398 : vector<16xi32> to vector<16xi32>
    %swap3A_400 = vector.shape_cast %shift_right_logical3A_396 : vector<16xi32> to vector<16xi32>
    tpu.vector_store %arg16[%swap3A_397], %swap3A_400 {strides = array<i32>} : memref<40xi32, #tpu.memory_space<vmem>>, vector<16xi32>,
    %get3A_401 = arith.constant 184 : index
    %get3A_402 = tpu.vector_load %arg6[%get3A_401] {strides = array<i32>} : memref<10000xi32, #tpu.memory_space<vmem>>, vector<16xi32>,
    %get3A_403 = vector.shape_cast %get3A_402 : vector<16xi32> to vector<16xi32>
    %and3A_404 = arith.andi %get3A_403, %broadcast_in_dim3A_193 : vector<16xi32>
    %swap3A_405 = arith.constant 24 : index
    %swap3A_406 = tpu.vector_load %arg11[%swap3A_405] {strides = array<i32>} : memref<40xi32, #tpu.memory_space<vmem>>, vector<16xi32>,
    %swap3A_407 = vector.shape_cast %swap3A_406 : vector<16xi32> to vector<16xi32>
    %swap3A_408 = vector.shape_cast %and3A_404 : vector<16xi32> to vector<16xi32>
    tpu.vector_store %arg11[%swap3A_405], %swap3A_408 {strides = array<i32>} : memref<40xi32, #tpu.memory_space<vmem>>, vector<16xi32>,
    %shift_right_logical3A_409 = arith.constant 14 : i32
    %shift_right_logical3A_410 = vector.broadcast %shift_right_logical3A_409 : i32 to vector<16xi32>
    %shift_right_logical3A_411 = arith.shrui %get3A_403, %shift_right_logical3A_410 : vector<16xi32>
    %swap3A_412 = arith.constant 24 : index
    %swap3A_413 = tpu.vector_load %arg16[%swap3A_412] {strides = array<i32>} : memref<40xi32, #tpu.memory_space<vmem>>, vector<16xi32>,
    %swap3A_414 = vector.shape_cast %swap3A_413 : vector<16xi32> to vector<16xi32>
    %swap3A_415 = vector.shape_cast %shift_right_logical3A_411 : vector<16xi32> to vector<16xi32>
    tpu.vector_store %arg16[%swap3A_412], %swap3A_415 {strides = array<i32>} : memref<40xi32, #tpu.memory_space<vmem>>, vector<16xi32>,
    %barrier3A = arith.constant 0 : index
    tpu.barrier barrier_id(%barrier3A)
    %dma_start3A_416 = arith.constant 0 : i32
    %dma_start3A_417 = arith.constant 0 : i32
    %dma_start3A_418 = tpu.memref_slice %arg2[%dma_start3A_416, %dma_start3A_417] : memref<10000x128xf32, #tpu.memory_space<hbm>> -> memref<10000x128xf32, #tpu.memory_space<hbm>>
    tpu.enqueue_indirect_dma source(%dma_start3A_418 : memref<10000x128xf32, #tpu.memory_space<hbm>>) target(%arg17 : memref<40x128xf32, #tpu.memory_space<vmem>>) offsets(%arg7 : memref<40xi32, #tpu.memory_space<vmem>>) semaphore(%arg26 : memref<!tpu.dma_semaphore, #tpu.memory_space<semaphore_mem>>)
    %dma_start3A_419 = arith.constant 0 : i32
    %dma_start3A_420 = arith.constant 0 : i32
    %dma_start3A_421 = tpu.memref_slice %arg2[%dma_start3A_419, %dma_start3A_420] : memref<10000x128xf32, #tpu.memory_space<hbm>> -> memref<10000x128xf32, #tpu.memory_space<hbm>>
    tpu.enqueue_indirect_dma source(%dma_start3A_421 : memref<10000x128xf32, #tpu.memory_space<hbm>>) target(%arg18 : memref<40x128xf32, #tpu.memory_space<vmem>>) offsets(%arg8 : memref<40xi32, #tpu.memory_space<vmem>>) semaphore(%arg27 : memref<!tpu.dma_semaphore, #tpu.memory_space<semaphore_mem>>)
    %dma_start3A_422 = arith.constant 0 : i32
    %dma_start3A_423 = arith.constant 0 : i32
    %dma_start3A_424 = tpu.memref_slice %arg2[%dma_start3A_422, %dma_start3A_423] : memref<10000x128xf32, #tpu.memory_space<hbm>> -> memref<10000x128xf32, #tpu.memory_space<hbm>>
    tpu.enqueue_indirect_dma source(%dma_start3A_424 : memref<10000x128xf32, #tpu.memory_space<hbm>>) target(%arg19 : memref<40x128xf32, #tpu.memory_space<vmem>>) offsets(%arg9 : memref<40xi32, #tpu.memory_space<vmem>>) semaphore(%arg28 : memref<!tpu.dma_semaphore, #tpu.memory_space<semaphore_mem>>)
    %dma_start3A_425 = arith.constant 0 : i32
    %dma_start3A_426 = arith.constant 0 : i32
    %dma_start3A_427 = tpu.memref_slice %arg2[%dma_start3A_425, %dma_start3A_426] : memref<10000x128xf32, #tpu.memory_space<hbm>> -> memref<10000x128xf32, #tpu.memory_space<hbm>>
    tpu.enqueue_indirect_dma source(%dma_start3A_427 : memref<10000x128xf32, #tpu.memory_space<hbm>>) target(%arg20 : memref<40x128xf32, #tpu.memory_space<vmem>>) offsets(%arg10 : memref<40xi32, #tpu.memory_space<vmem>>) semaphore(%arg29 : memref<!tpu.dma_semaphore, #tpu.memory_space<semaphore_mem>>)
    %dma_start3A_428 = arith.constant 0 : i32
    %dma_start3A_429 = arith.constant 0 : i32
    %dma_start3A_430 = tpu.memref_slice %arg2[%dma_start3A_428, %dma_start3A_429] : memref<10000x128xf32, #tpu.memory_space<hbm>> -> memref<10000x128xf32, #tpu.memory_space<hbm>>
    tpu.enqueue_indirect_dma source(%dma_start3A_430 : memref<10000x128xf32, #tpu.memory_space<hbm>>) target(%arg21 : memref<40x128xf32, #tpu.memory_space<vmem>>) offsets(%arg11 : memref<40xi32, #tpu.memory_space<vmem>>) semaphore(%arg30 : memref<!tpu.dma_semaphore, #tpu.memory_space<semaphore_mem>>)
    %scan3A_431 = arith.constant 0 : i32
    %scan3A_432 = arith.constant 0 : i32
    %scan3A_433 = arith.constant 50 : i32
    %scan3A_434 = arith.addi %scan3A_432, %scan3A_433 : i32
    %scan3A_435 = arith.constant 1 : i32
    scf.for %scan3A_440 = %scan3A_432 to %scan3A_434 step %scan3A_435  : i32 {
      %mul3A_441 = arith.constant 5 : i32
      %mul3A_442 = arith.muli %mul3A_441, %scan3A_440 : i32
      %add3A_443 = arith.constant 5 : i32
      %add3A_444 = arith.addi %mul3A_442, %add3A_443 : i32
      %dma_wait3A_445 = arith.constant 0 : i32
      %dma_wait3A_446 = arith.constant 0 : i32
      %dma_wait3A_447 = tpu.memref_slice %arg2[%dma_wait3A_445, %dma_wait3A_446] : memref<10000x128xf32, #tpu.memory_space<hbm>> -> memref<10000x128xf32, #tpu.memory_space<hbm>>
      tpu.wait_indirect_dma semaphore(%arg26 : memref<!tpu.dma_semaphore, #tpu.memory_space<semaphore_mem>>) src(%dma_wait3A_447 : memref<10000x128xf32, #tpu.memory_space<hbm>>) dst(%arg17 : memref<40x128xf32, #tpu.memory_space<vmem>>)
      %dma_start3A_448 = arith.constant 0 : i32
      %dma_start3A_449 = tpu.memref_slice %arg25[%dma_start3A_448] : memref<10240xf32, #tpu.memory_space<vmem_shared>> -> memref<10240xf32, #tpu.memory_space<vmem_shared>>
      tpu.enqueue_indirect_dma source(%arg22 : memref<40xf32, #tpu.memory_space<vmem>>) target(%dma_start3A_449 : memref<10240xf32, #tpu.memory_space<vmem_shared>>) offsets(%arg12 : memref<40xi32, #tpu.memory_space<vmem>>) semaphore(%arg31 : memref<!tpu.dma_semaphore, #tpu.memory_space<semaphore_mem>>) {add = true}
      "tpu.region"() ({
        %run_scoped3A = tpu.sem_alloc : memref<!tpu.dma_semaphore, #tpu.memory_space<semaphore_mem>>
        %dma_start3A_512 = arith.constant 0 : i32
        %dma_start3A_513 = arith.constant 0 : i32
        %dma_start3A_514 = tpu.memref_slice %arg24[%dma_start3A_512, %dma_start3A_513] : memref<10240x128xf32, #tpu.memory_space<vmem_shared>> -> memref<10240x128xf32, #tpu.memory_space<vmem_shared>>
        tpu.enqueue_indirect_dma source(%arg17 : memref<40x128xf32, #tpu.memory_space<vmem>>) target(%dma_start3A_514 : memref<10240x128xf32, #tpu.memory_space<vmem_shared>>) offsets(%arg12 : memref<40xi32, #tpu.memory_space<vmem>>) semaphore(%run_scoped3A : memref<!tpu.dma_semaphore, #tpu.memory_space<semaphore_mem>>) {add = true}
        %dma_wait3A_515 = arith.constant 0 : i32
        %dma_wait3A_516 = arith.constant 0 : i32
        %dma_wait3A_517 = tpu.memref_slice %arg24[%dma_wait3A_515, %dma_wait3A_516] : memref<10240x128xf32, #tpu.memory_space<vmem_shared>> -> memref<10240x128xf32, #tpu.memory_space<vmem_shared>>
        tpu.wait_indirect_dma semaphore(%run_scoped3A : memref<!tpu.dma_semaphore, #tpu.memory_space<semaphore_mem>>) src(%arg17 : memref<40x128xf32, #tpu.memory_space<vmem>>) dst(%dma_wait3A_517 : memref<10240x128xf32, #tpu.memory_space<vmem_shared>>)
        tpu.yield
      }) : () -> ()
      %dma_wait3A_450 = arith.constant 0 : i32
      %dma_wait3A_451 = tpu.memref_slice %arg25[%dma_wait3A_450] : memref<10240xf32, #tpu.memory_space<vmem_shared>> -> memref<10240xf32, #tpu.memory_space<vmem_shared>>
      tpu.wait_indirect_dma semaphore(%arg31 : memref<!tpu.dma_semaphore, #tpu.memory_space<semaphore_mem>>) src(%arg22 : memref<40xf32, #tpu.memory_space<vmem>>) dst(%dma_wait3A_451 : memref<10240xf32, #tpu.memory_space<vmem_shared>>)
      %lt3A = arith.constant 250 : i32
      %lt3A_452 = arith.cmpi slt, %add3A_444, %lt3A : i32
      %convert_element_type3A_453 = arith.extui %lt3A_452 : i1 to i32
      %cond3A_454 = arith.constant 0 : i32
      %cond3A_455 = arith.cmpi ne, %convert_element_type3A_453, %cond3A_454 : i32
      scf.if %cond3A_455 {
        %mul3A_512 = arith.constant 40 : i32
        %mul3A_513 = arith.muli %add3A_444, %mul3A_512 : i32
        %add3A_514 = arith.constant 0 : i32
        %add3A_515 = arith.addi %mul3A_513, %add3A_514 : i32
        %get3A_516 = arith.index_cast %add3A_515 : i32 to index
        %get3A_517 = tpu.vector_load %arg6[%get3A_516] {strides = array<i32>} : memref<10000xi32, #tpu.memory_space<vmem>>, vector<16xi32>,
        %get3A_518 = vector.shape_cast %get3A_517 : vector<16xi32> to vector<16xi32>
        %and3A_519 = arith.andi %get3A_518, %broadcast_in_dim3A_193 : vector<16xi32>
        %swap3A_520 = arith.constant 0 : index
        %swap3A_521 = tpu.vector_load %arg7[%swap3A_520] {strides = array<i32>} : memref<40xi32, #tpu.memory_space<vmem>>, vector<16xi32>,
        %swap3A_522 = vector.shape_cast %swap3A_521 : vector<16xi32> to vector<16xi32>
        %swap3A_523 = vector.shape_cast %and3A_519 : vector<16xi32> to vector<16xi32>
        tpu.vector_store %arg7[%swap3A_520], %swap3A_523 {strides = array<i32>} : memref<40xi32, #tpu.memory_space<vmem>>, vector<16xi32>,
        %shift_right_logical3A_524 = arith.constant 14 : i32
        %shift_right_logical3A_525 = vector.broadcast %shift_right_logical3A_524 : i32 to vector<16xi32>
        %shift_right_logical3A_526 = arith.shrui %get3A_518, %shift_right_logical3A_525 : vector<16xi32>
        %swap3A_527 = arith.constant 0 : index
        %swap3A_528 = tpu.vector_load %arg12[%swap3A_527] {strides = array<i32>} : memref<40xi32, #tpu.memory_space<vmem>>, vector<16xi32>,
        %swap3A_529 = vector.shape_cast %swap3A_528 : vector<16xi32> to vector<16xi32>
        %swap3A_530 = vector.shape_cast %shift_right_logical3A_526 : vector<16xi32> to vector<16xi32>
        tpu.vector_store %arg12[%swap3A_527], %swap3A_530 {strides = array<i32>} : memref<40xi32, #tpu.memory_space<vmem>>, vector<16xi32>,
        %mul3A_531 = arith.constant 40 : i32
        %mul3A_532 = arith.muli %add3A_444, %mul3A_531 : i32
        %add3A_533 = arith.constant 16 : i32
        %add3A_534 = arith.addi %mul3A_532, %add3A_533 : i32
        %get3A_535 = arith.index_cast %add3A_534 : i32 to index
        %get3A_536 = tpu.vector_load %arg6[%get3A_535] {strides = array<i32>} : memref<10000xi32, #tpu.memory_space<vmem>>, vector<16xi32>,
        %get3A_537 = vector.shape_cast %get3A_536 : vector<16xi32> to vector<16xi32>
        %and3A_538 = arith.andi %get3A_537, %broadcast_in_dim3A_193 : vector<16xi32>
        %swap3A_539 = arith.constant 16 : index
        %swap3A_540 = tpu.vector_load %arg7[%swap3A_539] {strides = array<i32>} : memref<40xi32, #tpu.memory_space<vmem>>, vector<16xi32>,
        %swap3A_541 = vector.shape_cast %swap3A_540 : vector<16xi32> to vector<16xi32>
        %swap3A_542 = vector.shape_cast %and3A_538 : vector<16xi32> to vector<16xi32>
        tpu.vector_store %arg7[%swap3A_539], %swap3A_542 {strides = array<i32>} : memref<40xi32, #tpu.memory_space<vmem>>, vector<16xi32>,
        %shift_right_logical3A_543 = arith.constant 14 : i32
        %shift_right_logical3A_544 = vector.broadcast %shift_right_logical3A_543 : i32 to vector<16xi32>
        %shift_right_logical3A_545 = arith.shrui %get3A_537, %shift_right_logical3A_544 : vector<16xi32>
        %swap3A_546 = arith.constant 16 : index
        %swap3A_547 = tpu.vector_load %arg12[%swap3A_546] {strides = array<i32>} : memref<40xi32, #tpu.memory_space<vmem>>, vector<16xi32>,
        %swap3A_548 = vector.shape_cast %swap3A_547 : vector<16xi32> to vector<16xi32>
        %swap3A_549 = vector.shape_cast %shift_right_logical3A_545 : vector<16xi32> to vector<16xi32>
        tpu.vector_store %arg12[%swap3A_546], %swap3A_549 {strides = array<i32>} : memref<40xi32, #tpu.memory_space<vmem>>, vector<16xi32>,
        %mul3A_550 = arith.constant 40 : i32
        %mul3A_551 = arith.muli %add3A_444, %mul3A_550 : i32
        %add3A_552 = arith.constant 24 : i32
        %add3A_553 = arith.addi %mul3A_551, %add3A_552 : i32
        %get3A_554 = arith.index_cast %add3A_553 : i32 to index
        %get3A_555 = tpu.vector_load %arg6[%get3A_554] {strides = array<i32>} : memref<10000xi32, #tpu.memory_space<vmem>>, vector<16xi32>,
        %get3A_556 = vector.shape_cast %get3A_555 : vector<16xi32> to vector<16xi32>
        %and3A_557 = arith.andi %get3A_556, %broadcast_in_dim3A_193 : vector<16xi32>
        %swap3A_558 = arith.constant 24 : index
        %swap3A_559 = tpu.vector_load %arg7[%swap3A_558] {strides = array<i32>} : memref<40xi32, #tpu.memory_space<vmem>>, vector<16xi32>,
        %swap3A_560 = vector.shape_cast %swap3A_559 : vector<16xi32> to vector<16xi32>
        %swap3A_561 = vector.shape_cast %and3A_557 : vector<16xi32> to vector<16xi32>
        tpu.vector_store %arg7[%swap3A_558], %swap3A_561 {strides = array<i32>} : memref<40xi32, #tpu.memory_space<vmem>>, vector<16xi32>,
        %shift_right_logical3A_562 = arith.constant 14 : i32
        %shift_right_logical3A_563 = vector.broadcast %shift_right_logical3A_562 : i32 to vector<16xi32>
        %shift_right_logical3A_564 = arith.shrui %get3A_556, %shift_right_logical3A_563 : vector<16xi32>
        %swap3A_565 = arith.constant 24 : index
        %swap3A_566 = tpu.vector_load %arg12[%swap3A_565] {strides = array<i32>} : memref<40xi32, #tpu.memory_space<vmem>>, vector<16xi32>,
        %swap3A_567 = vector.shape_cast %swap3A_566 : vector<16xi32> to vector<16xi32>
        %swap3A_568 = vector.shape_cast %shift_right_logical3A_564 : vector<16xi32> to vector<16xi32>
        tpu.vector_store %arg12[%swap3A_565], %swap3A_568 {strides = array<i32>} : memref<40xi32, #tpu.memory_space<vmem>>, vector<16xi32>,
        %dma_start3A_569 = arith.constant 0 : i32
        %dma_start3A_570 = arith.constant 0 : i32
        %dma_start3A_571 = tpu.memref_slice %arg2[%dma_start3A_569, %dma_start3A_570] : memref<10000x128xf32, #tpu.memory_space<hbm>> -> memref<10000x128xf32, #tpu.memory_space<hbm>>
        tpu.enqueue_indirect_dma source(%dma_start3A_571 : memref<10000x128xf32, #tpu.memory_space<hbm>>) target(%arg17 : memref<40x128xf32, #tpu.memory_space<vmem>>) offsets(%arg7 : memref<40xi32, #tpu.memory_space<vmem>>) semaphore(%arg26 : memref<!tpu.dma_semaphore, #tpu.memory_space<semaphore_mem>>)
      } else {
      }
      %add3A_456 = arith.constant 6 : i32
      %add3A_457 = arith.addi %mul3A_442, %add3A_456 : i32
      %dma_wait3A_458 = arith.constant 0 : i32
      %dma_wait3A_459 = arith.constant 0 : i32
      %dma_wait3A_460 = tpu.memref_slice %arg2[%dma_wait3A_458, %dma_wait3A_459] : memref<10000x128xf32, #tpu.memory_space<hbm>> -> memref<10000x128xf32, #tpu.memory_space<hbm>>
      tpu.wait_indirect_dma semaphore(%arg27 : memref<!tpu.dma_semaphore, #tpu.memory_space<semaphore_mem>>) src(%dma_wait3A_460 : memref<10000x128xf32, #tpu.memory_space<hbm>>) dst(%arg18 : memref<40x128xf32, #tpu.memory_space<vmem>>)
      %dma_start3A_461 = arith.constant 0 : i32
      %dma_start3A_462 = tpu.memref_slice %arg25[%dma_start3A_461] : memref<10240xf32, #tpu.memory_space<vmem_shared>> -> memref<10240xf32, #tpu.memory_space<vmem_shared>>
      tpu.enqueue_indirect_dma source(%arg22 : memref<40xf32, #tpu.memory_space<vmem>>) target(%dma_start3A_462 : memref<10240xf32, #tpu.memory_space<vmem_shared>>) offsets(%arg13 : memref<40xi32, #tpu.memory_space<vmem>>) semaphore(%arg31 : memref<!tpu.dma_semaphore, #tpu.memory_space<semaphore_mem>>) {add = true}
      "tpu.region"() ({
        %run_scoped3A = tpu.sem_alloc : memref<!tpu.dma_semaphore, #tpu.memory_space<semaphore_mem>>
        %dma_start3A_512 = arith.constant 0 : i32
        %dma_start3A_513 = arith.constant 0 : i32
        %dma_start3A_514 = tpu.memref_slice %arg24[%dma_start3A_512, %dma_start3A_513] : memref<10240x128xf32, #tpu.memory_space<vmem_shared>> -> memref<10240x128xf32, #tpu.memory_space<vmem_shared>>
        tpu.enqueue_indirect_dma source(%arg18 : memref<40x128xf32, #tpu.memory_space<vmem>>) target(%dma_start3A_514 : memref<10240x128xf32, #tpu.memory_space<vmem_shared>>) offsets(%arg13 : memref<40xi32, #tpu.memory_space<vmem>>) semaphore(%run_scoped3A : memref<!tpu.dma_semaphore, #tpu.memory_space<semaphore_mem>>) {add = true}
        %dma_wait3A_515 = arith.constant 0 : i32
        %dma_wait3A_516 = arith.constant 0 : i32
        %dma_wait3A_517 = tpu.memref_slice %arg24[%dma_wait3A_515, %dma_wait3A_516] : memref<10240x128xf32, #tpu.memory_space<vmem_shared>> -> memref<10240x128xf32, #tpu.memory_space<vmem_shared>>
        tpu.wait_indirect_dma semaphore(%run_scoped3A : memref<!tpu.dma_semaphore, #tpu.memory_space<semaphore_mem>>) src(%arg18 : memref<40x128xf32, #tpu.memory_space<vmem>>) dst(%dma_wait3A_517 : memref<10240x128xf32, #tpu.memory_space<vmem_shared>>)
        tpu.yield
      }) : () -> ()
      %dma_wait3A_463 = arith.constant 0 : i32
      %dma_wait3A_464 = tpu.memref_slice %arg25[%dma_wait3A_463] : memref<10240xf32, #tpu.memory_space<vmem_shared>> -> memref<10240xf32, #tpu.memory_space<vmem_shared>>
      tpu.wait_indirect_dma semaphore(%arg31 : memref<!tpu.dma_semaphore, #tpu.memory_space<semaphore_mem>>) src(%arg22 : memref<40xf32, #tpu.memory_space<vmem>>) dst(%dma_wait3A_464 : memref<10240xf32, #tpu.memory_space<vmem_shared>>)
      %lt3A_465 = arith.constant 250 : i32
      %lt3A_466 = arith.cmpi slt, %add3A_457, %lt3A_465 : i32
      %convert_element_type3A_467 = arith.extui %lt3A_466 : i1 to i32
      %cond3A_468 = arith.constant 0 : i32
      %cond3A_469 = arith.cmpi ne, %convert_element_type3A_467, %cond3A_468 : i32
      scf.if %cond3A_469 {
        %mul3A_512 = arith.constant 40 : i32
        %mul3A_513 = arith.muli %add3A_457, %mul3A_512 : i32
        %add3A_514 = arith.constant 0 : i32
        %add3A_515 = arith.addi %mul3A_513, %add3A_514 : i32
        %get3A_516 = arith.index_cast %add3A_515 : i32 to index
        %get3A_517 = tpu.vector_load %arg6[%get3A_516] {strides = array<i32>} : memref<10000xi32, #tpu.memory_space<vmem>>, vector<16xi32>,
        %get3A_518 = vector.shape_cast %get3A_517 : vector<16xi32> to vector<16xi32>
        %and3A_519 = arith.andi %get3A_518, %broadcast_in_dim3A_193 : vector<16xi32>
        %swap3A_520 = arith.constant 0 : index
        %swap3A_521 = tpu.vector_load %arg8[%swap3A_520] {strides = array<i32>} : memref<40xi32, #tpu.memory_space<vmem>>, vector<16xi32>,
        %swap3A_522 = vector.shape_cast %swap3A_521 : vector<16xi32> to vector<16xi32>
        %swap3A_523 = vector.shape_cast %and3A_519 : vector<16xi32> to vector<16xi32>
        tpu.vector_store %arg8[%swap3A_520], %swap3A_523 {strides = array<i32>} : memref<40xi32, #tpu.memory_space<vmem>>, vector<16xi32>,
        %shift_right_logical3A_524 = arith.constant 14 : i32
        %shift_right_logical3A_525 = vector.broadcast %shift_right_logical3A_524 : i32 to vector<16xi32>
        %shift_right_logical3A_526 = arith.shrui %get3A_518, %shift_right_logical3A_525 : vector<16xi32>
        %swap3A_527 = arith.constant 0 : index
        %swap3A_528 = tpu.vector_load %arg13[%swap3A_527] {strides = array<i32>} : memref<40xi32, #tpu.memory_space<vmem>>, vector<16xi32>,
        %swap3A_529 = vector.shape_cast %swap3A_528 : vector<16xi32> to vector<16xi32>
        %swap3A_530 = vector.shape_cast %shift_right_logical3A_526 : vector<16xi32> to vector<16xi32>
        tpu.vector_store %arg13[%swap3A_527], %swap3A_530 {strides = array<i32>} : memref<40xi32, #tpu.memory_space<vmem>>, vector<16xi32>,
        %mul3A_531 = arith.constant 40 : i32
        %mul3A_532 = arith.muli %add3A_457, %mul3A_531 : i32
        %add3A_533 = arith.constant 16 : i32
        %add3A_534 = arith.addi %mul3A_532, %add3A_533 : i32
        %get3A_535 = arith.index_cast %add3A_534 : i32 to index
        %get3A_536 = tpu.vector_load %arg6[%get3A_535] {strides = array<i32>} : memref<10000xi32, #tpu.memory_space<vmem>>, vector<16xi32>,
        %get3A_537 = vector.shape_cast %get3A_536 : vector<16xi32> to vector<16xi32>
        %and3A_538 = arith.andi %get3A_537, %broadcast_in_dim3A_193 : vector<16xi32>
        %swap3A_539 = arith.constant 16 : index
        %swap3A_540 = tpu.vector_load %arg8[%swap3A_539] {strides = array<i32>} : memref<40xi32, #tpu.memory_space<vmem>>, vector<16xi32>,
        %swap3A_541 = vector.shape_cast %swap3A_540 : vector<16xi32> to vector<16xi32>
        %swap3A_542 = vector.shape_cast %and3A_538 : vector<16xi32> to vector<16xi32>
        tpu.vector_store %arg8[%swap3A_539], %swap3A_542 {strides = array<i32>} : memref<40xi32, #tpu.memory_space<vmem>>, vector<16xi32>,
        %shift_right_logical3A_543 = arith.constant 14 : i32
        %shift_right_logical3A_544 = vector.broadcast %shift_right_logical3A_543 : i32 to vector<16xi32>
        %shift_right_logical3A_545 = arith.shrui %get3A_537, %shift_right_logical3A_544 : vector<16xi32>
        %swap3A_546 = arith.constant 16 : index
        %swap3A_547 = tpu.vector_load %arg13[%swap3A_546] {strides = array<i32>} : memref<40xi32, #tpu.memory_space<vmem>>, vector<16xi32>,
        %swap3A_548 = vector.shape_cast %swap3A_547 : vector<16xi32> to vector<16xi32>
        %swap3A_549 = vector.shape_cast %shift_right_logical3A_545 : vector<16xi32> to vector<16xi32>
        tpu.vector_store %arg13[%swap3A_546], %swap3A_549 {strides = array<i32>} : memref<40xi32, #tpu.memory_space<vmem>>, vector<16xi32>,
        %mul3A_550 = arith.constant 40 : i32
        %mul3A_551 = arith.muli %add3A_457, %mul3A_550 : i32
        %add3A_552 = arith.constant 24 : i32
        %add3A_553 = arith.addi %mul3A_551, %add3A_552 : i32
        %get3A_554 = arith.index_cast %add3A_553 : i32 to index
        %get3A_555 = tpu.vector_load %arg6[%get3A_554] {strides = array<i32>} : memref<10000xi32, #tpu.memory_space<vmem>>, vector<16xi32>,
        %get3A_556 = vector.shape_cast %get3A_555 : vector<16xi32> to vector<16xi32>
        %and3A_557 = arith.andi %get3A_556, %broadcast_in_dim3A_193 : vector<16xi32>
        %swap3A_558 = arith.constant 24 : index
        %swap3A_559 = tpu.vector_load %arg8[%swap3A_558] {strides = array<i32>} : memref<40xi32, #tpu.memory_space<vmem>>, vector<16xi32>,
        %swap3A_560 = vector.shape_cast %swap3A_559 : vector<16xi32> to vector<16xi32>
        %swap3A_561 = vector.shape_cast %and3A_557 : vector<16xi32> to vector<16xi32>
        tpu.vector_store %arg8[%swap3A_558], %swap3A_561 {strides = array<i32>} : memref<40xi32, #tpu.memory_space<vmem>>, vector<16xi32>,
        %shift_right_logical3A_562 = arith.constant 14 : i32
        %shift_right_logical3A_563 = vector.broadcast %shift_right_logical3A_562 : i32 to vector<16xi32>
        %shift_right_logical3A_564 = arith.shrui %get3A_556, %shift_right_logical3A_563 : vector<16xi32>
        %swap3A_565 = arith.constant 24 : index
        %swap3A_566 = tpu.vector_load %arg13[%swap3A_565] {strides = array<i32>} : memref<40xi32, #tpu.memory_space<vmem>>, vector<16xi32>,
        %swap3A_567 = vector.shape_cast %swap3A_566 : vector<16xi32> to vector<16xi32>
        %swap3A_568 = vector.shape_cast %shift_right_logical3A_564 : vector<16xi32> to vector<16xi32>
        tpu.vector_store %arg13[%swap3A_565], %swap3A_568 {strides = array<i32>} : memref<40xi32, #tpu.memory_space<vmem>>, vector<16xi32>,
        %dma_start3A_569 = arith.constant 0 : i32
        %dma_start3A_570 = arith.constant 0 : i32
        %dma_start3A_571 = tpu.memref_slice %arg2[%dma_start3A_569, %dma_start3A_570] : memref<10000x128xf32, #tpu.memory_space<hbm>> -> memref<10000x128xf32, #tpu.memory_space<hbm>>
        tpu.enqueue_indirect_dma source(%dma_start3A_571 : memref<10000x128xf32, #tpu.memory_space<hbm>>) target(%arg18 : memref<40x128xf32, #tpu.memory_space<vmem>>) offsets(%arg8 : memref<40xi32, #tpu.memory_space<vmem>>) semaphore(%arg27 : memref<!tpu.dma_semaphore, #tpu.memory_space<semaphore_mem>>)
      } else {
      }
      %add3A_470 = arith.constant 7 : i32
      %add3A_471 = arith.addi %mul3A_442, %add3A_470 : i32
      %dma_wait3A_472 = arith.constant 0 : i32
      %dma_wait3A_473 = arith.constant 0 : i32
      %dma_wait3A_474 = tpu.memref_slice %arg2[%dma_wait3A_472, %dma_wait3A_473] : memref<10000x128xf32, #tpu.memory_space<hbm>> -> memref<10000x128xf32, #tpu.memory_space<hbm>>
      tpu.wait_indirect_dma semaphore(%arg28 : memref<!tpu.dma_semaphore, #tpu.memory_space<semaphore_mem>>) src(%dma_wait3A_474 : memref<10000x128xf32, #tpu.memory_space<hbm>>) dst(%arg19 : memref<40x128xf32, #tpu.memory_space<vmem>>)
      %dma_start3A_475 = arith.constant 0 : i32
      %dma_start3A_476 = tpu.memref_slice %arg25[%dma_start3A_475] : memref<10240xf32, #tpu.memory_space<vmem_shared>> -> memref<10240xf32, #tpu.memory_space<vmem_shared>>
      tpu.enqueue_indirect_dma source(%arg22 : memref<40xf32, #tpu.memory_space<vmem>>) target(%dma_start3A_476 : memref<10240xf32, #tpu.memory_space<vmem_shared>>) offsets(%arg14 : memref<40xi32, #tpu.memory_space<vmem>>) semaphore(%arg31 : memref<!tpu.dma_semaphore, #tpu.memory_space<semaphore_mem>>) {add = true}
      "tpu.region"() ({
        %run_scoped3A = tpu.sem_alloc : memref<!tpu.dma_semaphore, #tpu.memory_space<semaphore_mem>>
        %dma_start3A_512 = arith.constant 0 : i32
        %dma_start3A_513 = arith.constant 0 : i32
        %dma_start3A_514 = tpu.memref_slice %arg24[%dma_start3A_512, %dma_start3A_513] : memref<10240x128xf32, #tpu.memory_space<vmem_shared>> -> memref<10240x128xf32, #tpu.memory_space<vmem_shared>>
        tpu.enqueue_indirect_dma source(%arg19 : memref<40x128xf32, #tpu.memory_space<vmem>>) target(%dma_start3A_514 : memref<10240x128xf32, #tpu.memory_space<vmem_shared>>) offsets(%arg14 : memref<40xi32, #tpu.memory_space<vmem>>) semaphore(%run_scoped3A : memref<!tpu.dma_semaphore, #tpu.memory_space<semaphore_mem>>) {add = true}
        %dma_wait3A_515 = arith.constant 0 : i32
        %dma_wait3A_516 = arith.constant 0 : i32
        %dma_wait3A_517 = tpu.memref_slice %arg24[%dma_wait3A_515, %dma_wait3A_516] : memref<10240x128xf32, #tpu.memory_space<vmem_shared>> -> memref<10240x128xf32, #tpu.memory_space<vmem_shared>>
        tpu.wait_indirect_dma semaphore(%run_scoped3A : memref<!tpu.dma_semaphore, #tpu.memory_space<semaphore_mem>>) src(%arg19 : memref<40x128xf32, #tpu.memory_space<vmem>>) dst(%dma_wait3A_517 : memref<10240x128xf32, #tpu.memory_space<vmem_shared>>)
        tpu.yield
      }) : () -> ()
      %dma_wait3A_477 = arith.constant 0 : i32
      %dma_wait3A_478 = tpu.memref_slice %arg25[%dma_wait3A_477] : memref<10240xf32, #tpu.memory_space<vmem_shared>> -> memref<10240xf32, #tpu.memory_space<vmem_shared>>
      tpu.wait_indirect_dma semaphore(%arg31 : memref<!tpu.dma_semaphore, #tpu.memory_space<semaphore_mem>>) src(%arg22 : memref<40xf32, #tpu.memory_space<vmem>>) dst(%dma_wait3A_478 : memref<10240xf32, #tpu.memory_space<vmem_shared>>)
      %lt3A_479 = arith.constant 250 : i32
      %lt3A_480 = arith.cmpi slt, %add3A_471, %lt3A_479 : i32
      %convert_element_type3A_481 = arith.extui %lt3A_480 : i1 to i32
      %cond3A_482 = arith.constant 0 : i32
      %cond3A_483 = arith.cmpi ne, %convert_element_type3A_481, %cond3A_482 : i32
      scf.if %cond3A_483 {
        %mul3A_512 = arith.constant 40 : i32
        %mul3A_513 = arith.muli %add3A_471, %mul3A_512 : i32
        %add3A_514 = arith.constant 0 : i32
        %add3A_515 = arith.addi %mul3A_513, %add3A_514 : i32
        %get3A_516 = arith.index_cast %add3A_515 : i32 to index
        %get3A_517 = tpu.vector_load %arg6[%get3A_516] {strides = array<i32>} : memref<10000xi32, #tpu.memory_space<vmem>>, vector<16xi32>,
        %get3A_518 = vector.shape_cast %get3A_517 : vector<16xi32> to vector<16xi32>
        %and3A_519 = arith.andi %get3A_518, %broadcast_in_dim3A_193 : vector<16xi32>
        %swap3A_520 = arith.constant 0 : index
        %swap3A_521 = tpu.vector_load %arg9[%swap3A_520] {strides = array<i32>} : memref<40xi32, #tpu.memory_space<vmem>>, vector<16xi32>,
        %swap3A_522 = vector.shape_cast %swap3A_521 : vector<16xi32> to vector<16xi32>
        %swap3A_523 = vector.shape_cast %and3A_519 : vector<16xi32> to vector<16xi32>
        tpu.vector_store %arg9[%swap3A_520], %swap3A_523 {strides = array<i32>} : memref<40xi32, #tpu.memory_space<vmem>>, vector<16xi32>,
        %shift_right_logical3A_524 = arith.constant 14 : i32
        %shift_right_logical3A_525 = vector.broadcast %shift_right_logical3A_524 : i32 to vector<16xi32>
        %shift_right_logical3A_526 = arith.shrui %get3A_518, %shift_right_logical3A_525 : vector<16xi32>
        %swap3A_527 = arith.constant 0 : index
        %swap3A_528 = tpu.vector_load %arg14[%swap3A_527] {strides = array<i32>} : memref<40xi32, #tpu.memory_space<vmem>>, vector<16xi32>,
        %swap3A_529 = vector.shape_cast %swap3A_528 : vector<16xi32> to vector<16xi32>
        %swap3A_530 = vector.shape_cast %shift_right_logical3A_526 : vector<16xi32> to vector<16xi32>
        tpu.vector_store %arg14[%swap3A_527], %swap3A_530 {strides = array<i32>} : memref<40xi32, #tpu.memory_space<vmem>>, vector<16xi32>,
        %mul3A_531 = arith.constant 40 : i32
        %mul3A_532 = arith.muli %add3A_471, %mul3A_531 : i32
        %add3A_533 = arith.constant 16 : i32
        %add3A_534 = arith.addi %mul3A_532, %add3A_533 : i32
        %get3A_535 = arith.index_cast %add3A_534 : i32 to index
        %get3A_536 = tpu.vector_load %arg6[%get3A_535] {strides = array<i32>} : memref<10000xi32, #tpu.memory_space<vmem>>, vector<16xi32>,
        %get3A_537 = vector.shape_cast %get3A_536 : vector<16xi32> to vector<16xi32>
        %and3A_538 = arith.andi %get3A_537, %broadcast_in_dim3A_193 : vector<16xi32>
        %swap3A_539 = arith.constant 16 : index
        %swap3A_540 = tpu.vector_load %arg9[%swap3A_539] {strides = array<i32>} : memref<40xi32, #tpu.memory_space<vmem>>, vector<16xi32>,
        %swap3A_541 = vector.shape_cast %swap3A_540 : vector<16xi32> to vector<16xi32>
        %swap3A_542 = vector.shape_cast %and3A_538 : vector<16xi32> to vector<16xi32>
        tpu.vector_store %arg9[%swap3A_539], %swap3A_542 {strides = array<i32>} : memref<40xi32, #tpu.memory_space<vmem>>, vector<16xi32>,
        %shift_right_logical3A_543 = arith.constant 14 : i32
        %shift_right_logical3A_544 = vector.broadcast %shift_right_logical3A_543 : i32 to vector<16xi32>
        %shift_right_logical3A_545 = arith.shrui %get3A_537, %shift_right_logical3A_544 : vector<16xi32>
        %swap3A_546 = arith.constant 16 : index
        %swap3A_547 = tpu.vector_load %arg14[%swap3A_546] {strides = array<i32>} : memref<40xi32, #tpu.memory_space<vmem>>, vector<16xi32>,
        %swap3A_548 = vector.shape_cast %swap3A_547 : vector<16xi32> to vector<16xi32>
        %swap3A_549 = vector.shape_cast %shift_right_logical3A_545 : vector<16xi32> to vector<16xi32>
        tpu.vector_store %arg14[%swap3A_546], %swap3A_549 {strides = array<i32>} : memref<40xi32, #tpu.memory_space<vmem>>, vector<16xi32>,
        %mul3A_550 = arith.constant 40 : i32
        %mul3A_551 = arith.muli %add3A_471, %mul3A_550 : i32
        %add3A_552 = arith.constant 24 : i32
        %add3A_553 = arith.addi %mul3A_551, %add3A_552 : i32
        %get3A_554 = arith.index_cast %add3A_553 : i32 to index
        %get3A_555 = tpu.vector_load %arg6[%get3A_554] {strides = array<i32>} : memref<10000xi32, #tpu.memory_space<vmem>>, vector<16xi32>,
        %get3A_556 = vector.shape_cast %get3A_555 : vector<16xi32> to vector<16xi32>
        %and3A_557 = arith.andi %get3A_556, %broadcast_in_dim3A_193 : vector<16xi32>
        %swap3A_558 = arith.constant 24 : index
        %swap3A_559 = tpu.vector_load %arg9[%swap3A_558] {strides = array<i32>} : memref<40xi32, #tpu.memory_space<vmem>>, vector<16xi32>,
        %swap3A_560 = vector.shape_cast %swap3A_559 : vector<16xi32> to vector<16xi32>
        %swap3A_561 = vector.shape_cast %and3A_557 : vector<16xi32> to vector<16xi32>
        tpu.vector_store %arg9[%swap3A_558], %swap3A_561 {strides = array<i32>} : memref<40xi32, #tpu.memory_space<vmem>>, vector<16xi32>,
        %shift_right_logical3A_562 = arith.constant 14 : i32
        %shift_right_logical3A_563 = vector.broadcast %shift_right_logical3A_562 : i32 to vector<16xi32>
        %shift_right_logical3A_564 = arith.shrui %get3A_556, %shift_right_logical3A_563 : vector<16xi32>
        %swap3A_565 = arith.constant 24 : index
        %swap3A_566 = tpu.vector_load %arg14[%swap3A_565] {strides = array<i32>} : memref<40xi32, #tpu.memory_space<vmem>>, vector<16xi32>,
        %swap3A_567 = vector.shape_cast %swap3A_566 : vector<16xi32> to vector<16xi32>
        %swap3A_568 = vector.shape_cast %shift_right_logical3A_564 : vector<16xi32> to vector<16xi32>
        tpu.vector_store %arg14[%swap3A_565], %swap3A_568 {strides = array<i32>} : memref<40xi32, #tpu.memory_space<vmem>>, vector<16xi32>,
        %dma_start3A_569 = arith.constant 0 : i32
        %dma_start3A_570 = arith.constant 0 : i32
        %dma_start3A_571 = tpu.memref_slice %arg2[%dma_start3A_569, %dma_start3A_570] : memref<10000x128xf32, #tpu.memory_space<hbm>> -> memref<10000x128xf32, #tpu.memory_space<hbm>>
        tpu.enqueue_indirect_dma source(%dma_start3A_571 : memref<10000x128xf32, #tpu.memory_space<hbm>>) target(%arg19 : memref<40x128xf32, #tpu.memory_space<vmem>>) offsets(%arg9 : memref<40xi32, #tpu.memory_space<vmem>>) semaphore(%arg28 : memref<!tpu.dma_semaphore, #tpu.memory_space<semaphore_mem>>)
      } else {
      }
      %add3A_484 = arith.constant 8 : i32
      %add3A_485 = arith.addi %mul3A_442, %add3A_484 : i32
      %dma_wait3A_486 = arith.constant 0 : i32
      %dma_wait3A_487 = arith.constant 0 : i32
      %dma_wait3A_488 = tpu.memref_slice %arg2[%dma_wait3A_486, %dma_wait3A_487] : memref<10000x128xf32, #tpu.memory_space<hbm>> -> memref<10000x128xf32, #tpu.memory_space<hbm>>
      tpu.wait_indirect_dma semaphore(%arg29 : memref<!tpu.dma_semaphore, #tpu.memory_space<semaphore_mem>>) src(%dma_wait3A_488 : memref<10000x128xf32, #tpu.memory_space<hbm>>) dst(%arg20 : memref<40x128xf32, #tpu.memory_space<vmem>>)
      %dma_start3A_489 = arith.constant 0 : i32
      %dma_start3A_490 = tpu.memref_slice %arg25[%dma_start3A_489] : memref<10240xf32, #tpu.memory_space<vmem_shared>> -> memref<10240xf32, #tpu.memory_space<vmem_shared>>
      tpu.enqueue_indirect_dma source(%arg22 : memref<40xf32, #tpu.memory_space<vmem>>) target(%dma_start3A_490 : memref<10240xf32, #tpu.memory_space<vmem_shared>>) offsets(%arg15 : memref<40xi32, #tpu.memory_space<vmem>>) semaphore(%arg31 : memref<!tpu.dma_semaphore, #tpu.memory_space<semaphore_mem>>) {add = true}
      "tpu.region"() ({
        %run_scoped3A = tpu.sem_alloc : memref<!tpu.dma_semaphore, #tpu.memory_space<semaphore_mem>>
        %dma_start3A_512 = arith.constant 0 : i32
        %dma_start3A_513 = arith.constant 0 : i32
        %dma_start3A_514 = tpu.memref_slice %arg24[%dma_start3A_512, %dma_start3A_513] : memref<10240x128xf32, #tpu.memory_space<vmem_shared>> -> memref<10240x128xf32, #tpu.memory_space<vmem_shared>>
        tpu.enqueue_indirect_dma source(%arg20 : memref<40x128xf32, #tpu.memory_space<vmem>>) target(%dma_start3A_514 : memref<10240x128xf32, #tpu.memory_space<vmem_shared>>) offsets(%arg15 : memref<40xi32, #tpu.memory_space<vmem>>) semaphore(%run_scoped3A : memref<!tpu.dma_semaphore, #tpu.memory_space<semaphore_mem>>) {add = true}
        %dma_wait3A_515 = arith.constant 0 : i32
        %dma_wait3A_516 = arith.constant 0 : i32
        %dma_wait3A_517 = tpu.memref_slice %arg24[%dma_wait3A_515, %dma_wait3A_516] : memref<10240x128xf32, #tpu.memory_space<vmem_shared>> -> memref<10240x128xf32, #tpu.memory_space<vmem_shared>>
        tpu.wait_indirect_dma semaphore(%run_scoped3A : memref<!tpu.dma_semaphore, #tpu.memory_space<semaphore_mem>>) src(%arg20 : memref<40x128xf32, #tpu.memory_space<vmem>>) dst(%dma_wait3A_517 : memref<10240x128xf32, #tpu.memory_space<vmem_shared>>)
        tpu.yield
      }) : () -> ()
      %dma_wait3A_491 = arith.constant 0 : i32
      %dma_wait3A_492 = tpu.memref_slice %arg25[%dma_wait3A_491] : memref<10240xf32, #tpu.memory_space<vmem_shared>> -> memref<10240xf32, #tpu.memory_space<vmem_shared>>
      tpu.wait_indirect_dma semaphore(%arg31 : memref<!tpu.dma_semaphore, #tpu.memory_space<semaphore_mem>>) src(%arg22 : memref<40xf32, #tpu.memory_space<vmem>>) dst(%dma_wait3A_492 : memref<10240xf32, #tpu.memory_space<vmem_shared>>)
      %lt3A_493 = arith.constant 250 : i32
      %lt3A_494 = arith.cmpi slt, %add3A_485, %lt3A_493 : i32
      %convert_element_type3A_495 = arith.extui %lt3A_494 : i1 to i32
      %cond3A_496 = arith.constant 0 : i32
      %cond3A_497 = arith.cmpi ne, %convert_element_type3A_495, %cond3A_496 : i32
      scf.if %cond3A_497 {
        %mul3A_512 = arith.constant 40 : i32
        %mul3A_513 = arith.muli %add3A_485, %mul3A_512 : i32
        %add3A_514 = arith.constant 0 : i32
        %add3A_515 = arith.addi %mul3A_513, %add3A_514 : i32
        %get3A_516 = arith.index_cast %add3A_515 : i32 to index
        %get3A_517 = tpu.vector_load %arg6[%get3A_516] {strides = array<i32>} : memref<10000xi32, #tpu.memory_space<vmem>>, vector<16xi32>,
        %get3A_518 = vector.shape_cast %get3A_517 : vector<16xi32> to vector<16xi32>
        %and3A_519 = arith.andi %get3A_518, %broadcast_in_dim3A_193 : vector<16xi32>
        %swap3A_520 = arith.constant 0 : index
        %swap3A_521 = tpu.vector_load %arg10[%swap3A_520] {strides = array<i32>} : memref<40xi32, #tpu.memory_space<vmem>>, vector<16xi32>,
        %swap3A_522 = vector.shape_cast %swap3A_521 : vector<16xi32> to vector<16xi32>
        %swap3A_523 = vector.shape_cast %and3A_519 : vector<16xi32> to vector<16xi32>
        tpu.vector_store %arg10[%swap3A_520], %swap3A_523 {strides = array<i32>} : memref<40xi32, #tpu.memory_space<vmem>>, vector<16xi32>,
        %shift_right_logical3A_524 = arith.constant 14 : i32
        %shift_right_logical3A_525 = vector.broadcast %shift_right_logical3A_524 : i32 to vector<16xi32>
        %shift_right_logical3A_526 = arith.shrui %get3A_518, %shift_right_logical3A_525 : vector<16xi32>
        %swap3A_527 = arith.constant 0 : index
        %swap3A_528 = tpu.vector_load %arg15[%swap3A_527] {strides = array<i32>} : memref<40xi32, #tpu.memory_space<vmem>>, vector<16xi32>,
        %swap3A_529 = vector.shape_cast %swap3A_528 : vector<16xi32> to vector<16xi32>
        %swap3A_530 = vector.shape_cast %shift_right_logical3A_526 : vector<16xi32> to vector<16xi32>
        tpu.vector_store %arg15[%swap3A_527], %swap3A_530 {strides = array<i32>} : memref<40xi32, #tpu.memory_space<vmem>>, vector<16xi32>,
        %mul3A_531 = arith.constant 40 : i32
        %mul3A_532 = arith.muli %add3A_485, %mul3A_531 : i32
        %add3A_533 = arith.constant 16 : i32
        %add3A_534 = arith.addi %mul3A_532, %add3A_533 : i32
        %get3A_535 = arith.index_cast %add3A_534 : i32 to index
        %get3A_536 = tpu.vector_load %arg6[%get3A_535] {strides = array<i32>} : memref<10000xi32, #tpu.memory_space<vmem>>, vector<16xi32>,
        %get3A_537 = vector.shape_cast %get3A_536 : vector<16xi32> to vector<16xi32>
        %and3A_538 = arith.andi %get3A_537, %broadcast_in_dim3A_193 : vector<16xi32>
        %swap3A_539 = arith.constant 16 : index
        %swap3A_540 = tpu.vector_load %arg10[%swap3A_539] {strides = array<i32>} : memref<40xi32, #tpu.memory_space<vmem>>, vector<16xi32>,
        %swap3A_541 = vector.shape_cast %swap3A_540 : vector<16xi32> to vector<16xi32>
        %swap3A_542 = vector.shape_cast %and3A_538 : vector<16xi32> to vector<16xi32>
        tpu.vector_store %arg10[%swap3A_539], %swap3A_542 {strides = array<i32>} : memref<40xi32, #tpu.memory_space<vmem>>, vector<16xi32>,
        %shift_right_logical3A_543 = arith.constant 14 : i32
        %shift_right_logical3A_544 = vector.broadcast %shift_right_logical3A_543 : i32 to vector<16xi32>
        %shift_right_logical3A_545 = arith.shrui %get3A_537, %shift_right_logical3A_544 : vector<16xi32>
        %swap3A_546 = arith.constant 16 : index
        %swap3A_547 = tpu.vector_load %arg15[%swap3A_546] {strides = array<i32>} : memref<40xi32, #tpu.memory_space<vmem>>, vector<16xi32>,
        %swap3A_548 = vector.shape_cast %swap3A_547 : vector<16xi32> to vector<16xi32>
        %swap3A_549 = vector.shape_cast %shift_right_logical3A_545 : vector<16xi32> to vector<16xi32>
        tpu.vector_store %arg15[%swap3A_546], %swap3A_549 {strides = array<i32>} : memref<40xi32, #tpu.memory_space<vmem>>, vector<16xi32>,
        %mul3A_550 = arith.constant 40 : i32
        %mul3A_551 = arith.muli %add3A_485, %mul3A_550 : i32
        %add3A_552 = arith.constant 24 : i32
        %add3A_553 = arith.addi %mul3A_551, %add3A_552 : i32
        %get3A_554 = arith.index_cast %add3A_553 : i32 to index
        %get3A_555 = tpu.vector_load %arg6[%get3A_554] {strides = array<i32>} : memref<10000xi32, #tpu.memory_space<vmem>>, vector<16xi32>,
        %get3A_556 = vector.shape_cast %get3A_555 : vector<16xi32> to vector<16xi32>
        %and3A_557 = arith.andi %get3A_556, %broadcast_in_dim3A_193 : vector<16xi32>
        %swap3A_558 = arith.constant 24 : index
        %swap3A_559 = tpu.vector_load %arg10[%swap3A_558] {strides = array<i32>} : memref<40xi32, #tpu.memory_space<vmem>>, vector<16xi32>,
        %swap3A_560 = vector.shape_cast %swap3A_559 : vector<16xi32> to vector<16xi32>
        %swap3A_561 = vector.shape_cast %and3A_557 : vector<16xi32> to vector<16xi32>
        tpu.vector_store %arg10[%swap3A_558], %swap3A_561 {strides = array<i32>} : memref<40xi32, #tpu.memory_space<vmem>>, vector<16xi32>,
        %shift_right_logical3A_562 = arith.constant 14 : i32
        %shift_right_logical3A_563 = vector.broadcast %shift_right_logical3A_562 : i32 to vector<16xi32>
        %shift_right_logical3A_564 = arith.shrui %get3A_556, %shift_right_logical3A_563 : vector<16xi32>
        %swap3A_565 = arith.constant 24 : index
        %swap3A_566 = tpu.vector_load %arg15[%swap3A_565] {strides = array<i32>} : memref<40xi32, #tpu.memory_space<vmem>>, vector<16xi32>,
        %swap3A_567 = vector.shape_cast %swap3A_566 : vector<16xi32> to vector<16xi32>
        %swap3A_568 = vector.shape_cast %shift_right_logical3A_564 : vector<16xi32> to vector<16xi32>
        tpu.vector_store %arg15[%swap3A_565], %swap3A_568 {strides = array<i32>} : memref<40xi32, #tpu.memory_space<vmem>>, vector<16xi32>,
        %dma_start3A_569 = arith.constant 0 : i32
        %dma_start3A_570 = arith.constant 0 : i32
        %dma_start3A_571 = tpu.memref_slice %arg2[%dma_start3A_569, %dma_start3A_570] : memref<10000x128xf32, #tpu.memory_space<hbm>> -> memref<10000x128xf32, #tpu.memory_space<hbm>>
        tpu.enqueue_indirect_dma source(%dma_start3A_571 : memref<10000x128xf32, #tpu.memory_space<hbm>>) target(%arg20 : memref<40x128xf32, #tpu.memory_space<vmem>>) offsets(%arg10 : memref<40xi32, #tpu.memory_space<vmem>>) semaphore(%arg29 : memref<!tpu.dma_semaphore, #tpu.memory_space<semaphore_mem>>)
      } else {
      }
      %add3A_498 = arith.constant 9 : i32
      %add3A_499 = arith.addi %mul3A_442, %add3A_498 : i32
      %dma_wait3A_500 = arith.constant 0 : i32
      %dma_wait3A_501 = arith.constant 0 : i32
      %dma_wait3A_502 = tpu.memref_slice %arg2[%dma_wait3A_500, %dma_wait3A_501] : memref<10000x128xf32, #tpu.memory_space<hbm>> -> memref<10000x128xf32, #tpu.memory_space<hbm>>
      tpu.wait_indirect_dma semaphore(%arg30 : memref<!tpu.dma_semaphore, #tpu.memory_space<semaphore_mem>>) src(%dma_wait3A_502 : memref<10000x128xf32, #tpu.memory_space<hbm>>) dst(%arg21 : memref<40x128xf32, #tpu.memory_space<vmem>>)
      %dma_start3A_503 = arith.constant 0 : i32
      %dma_start3A_504 = tpu.memref_slice %arg25[%dma_start3A_503] : memref<10240xf32, #tpu.memory_space<vmem_shared>> -> memref<10240xf32, #tpu.memory_space<vmem_shared>>
      tpu.enqueue_indirect_dma source(%arg22 : memref<40xf32, #tpu.memory_space<vmem>>) target(%dma_start3A_504 : memref<10240xf32, #tpu.memory_space<vmem_shared>>) offsets(%arg16 : memref<40xi32, #tpu.memory_space<vmem>>) semaphore(%arg31 : memref<!tpu.dma_semaphore, #tpu.memory_space<semaphore_mem>>) {add = true}
      "tpu.region"() ({
        %run_scoped3A = tpu.sem_alloc : memref<!tpu.dma_semaphore, #tpu.memory_space<semaphore_mem>>
        %dma_start3A_512 = arith.constant 0 : i32
        %dma_start3A_513 = arith.constant 0 : i32
        %dma_start3A_514 = tpu.memref_slice %arg24[%dma_start3A_512, %dma_start3A_513] : memref<10240x128xf32, #tpu.memory_space<vmem_shared>> -> memref<10240x128xf32, #tpu.memory_space<vmem_shared>>
        tpu.enqueue_indirect_dma source(%arg21 : memref<40x128xf32, #tpu.memory_space<vmem>>) target(%dma_start3A_514 : memref<10240x128xf32, #tpu.memory_space<vmem_shared>>) offsets(%arg16 : memref<40xi32, #tpu.memory_space<vmem>>) semaphore(%run_scoped3A : memref<!tpu.dma_semaphore, #tpu.memory_space<semaphore_mem>>) {add = true}
        %dma_wait3A_515 = arith.constant 0 : i32
        %dma_wait3A_516 = arith.constant 0 : i32
        %dma_wait3A_517 = tpu.memref_slice %arg24[%dma_wait3A_515, %dma_wait3A_516] : memref<10240x128xf32, #tpu.memory_space<vmem_shared>> -> memref<10240x128xf32, #tpu.memory_space<vmem_shared>>
        tpu.wait_indirect_dma semaphore(%run_scoped3A : memref<!tpu.dma_semaphore, #tpu.memory_space<semaphore_mem>>) src(%arg21 : memref<40x128xf32, #tpu.memory_space<vmem>>) dst(%dma_wait3A_517 : memref<10240x128xf32, #tpu.memory_space<vmem_shared>>)
        tpu.yield
      }) : () -> ()
      %dma_wait3A_505 = arith.constant 0 : i32
      %dma_wait3A_506 = tpu.memref_slice %arg25[%dma_wait3A_505] : memref<10240xf32, #tpu.memory_space<vmem_shared>> -> memref<10240xf32, #tpu.memory_space<vmem_shared>>
      tpu.wait_indirect_dma semaphore(%arg31 : memref<!tpu.dma_semaphore, #tpu.memory_space<semaphore_mem>>) src(%arg22 : memref<40xf32, #tpu.memory_space<vmem>>) dst(%dma_wait3A_506 : memref<10240xf32, #tpu.memory_space<vmem_shared>>)
      %lt3A_507 = arith.constant 250 : i32
      %lt3A_508 = arith.cmpi slt, %add3A_499, %lt3A_507 : i32
      %convert_element_type3A_509 = arith.extui %lt3A_508 : i1 to i32
      %cond3A_510 = arith.constant 0 : i32
      %cond3A_511 = arith.cmpi ne, %convert_element_type3A_509, %cond3A_510 : i32
      scf.if %cond3A_511 {
        %mul3A_512 = arith.constant 40 : i32
        %mul3A_513 = arith.muli %add3A_499, %mul3A_512 : i32
        %add3A_514 = arith.constant 0 : i32
        %add3A_515 = arith.addi %mul3A_513, %add3A_514 : i32
        %get3A_516 = arith.index_cast %add3A_515 : i32 to index
        %get3A_517 = tpu.vector_load %arg6[%get3A_516] {strides = array<i32>} : memref<10000xi32, #tpu.memory_space<vmem>>, vector<16xi32>,
        %get3A_518 = vector.shape_cast %get3A_517 : vector<16xi32> to vector<16xi32>
        %and3A_519 = arith.andi %get3A_518, %broadcast_in_dim3A_193 : vector<16xi32>
        %swap3A_520 = arith.constant 0 : index
        %swap3A_521 = tpu.vector_load %arg11[%swap3A_520] {strides = array<i32>} : memref<40xi32, #tpu.memory_space<vmem>>, vector<16xi32>,
        %swap3A_522 = vector.shape_cast %swap3A_521 : vector<16xi32> to vector<16xi32>
        %swap3A_523 = vector.shape_cast %and3A_519 : vector<16xi32> to vector<16xi32>
        tpu.vector_store %arg11[%swap3A_520], %swap3A_523 {strides = array<i32>} : memref<40xi32, #tpu.memory_space<vmem>>, vector<16xi32>,
        %shift_right_logical3A_524 = arith.constant 14 : i32
        %shift_right_logical3A_525 = vector.broadcast %shift_right_logical3A_524 : i32 to vector<16xi32>
        %shift_right_logical3A_526 = arith.shrui %get3A_518, %shift_right_logical3A_525 : vector<16xi32>
        %swap3A_527 = arith.constant 0 : index
        %swap3A_528 = tpu.vector_load %arg16[%swap3A_527] {strides = array<i32>} : memref<40xi32, #tpu.memory_space<vmem>>, vector<16xi32>,
        %swap3A_529 = vector.shape_cast %swap3A_528 : vector<16xi32> to vector<16xi32>
        %swap3A_530 = vector.shape_cast %shift_right_logical3A_526 : vector<16xi32> to vector<16xi32>
        tpu.vector_store %arg16[%swap3A_527], %swap3A_530 {strides = array<i32>} : memref<40xi32, #tpu.memory_space<vmem>>, vector<16xi32>,
        %mul3A_531 = arith.constant 40 : i32
        %mul3A_532 = arith.muli %add3A_499, %mul3A_531 : i32
        %add3A_533 = arith.constant 16 : i32
        %add3A_534 = arith.addi %mul3A_532, %add3A_533 : i32
        %get3A_535 = arith.index_cast %add3A_534 : i32 to index
        %get3A_536 = tpu.vector_load %arg6[%get3A_535] {strides = array<i32>} : memref<10000xi32, #tpu.memory_space<vmem>>, vector<16xi32>,
        %get3A_537 = vector.shape_cast %get3A_536 : vector<16xi32> to vector<16xi32>
        %and3A_538 = arith.andi %get3A_537, %broadcast_in_dim3A_193 : vector<16xi32>
        %swap3A_539 = arith.constant 16 : index
        %swap3A_540 = tpu.vector_load %arg11[%swap3A_539] {strides = array<i32>} : memref<40xi32, #tpu.memory_space<vmem>>, vector<16xi32>,
        %swap3A_541 = vector.shape_cast %swap3A_540 : vector<16xi32> to vector<16xi32>
        %swap3A_542 = vector.shape_cast %and3A_538 : vector<16xi32> to vector<16xi32>
        tpu.vector_store %arg11[%swap3A_539], %swap3A_542 {strides = array<i32>} : memref<40xi32, #tpu.memory_space<vmem>>, vector<16xi32>,
        %shift_right_logical3A_543 = arith.constant 14 : i32
        %shift_right_logical3A_544 = vector.broadcast %shift_right_logical3A_543 : i32 to vector<16xi32>
        %shift_right_logical3A_545 = arith.shrui %get3A_537, %shift_right_logical3A_544 : vector<16xi32>
        %swap3A_546 = arith.constant 16 : index
        %swap3A_547 = tpu.vector_load %arg16[%swap3A_546] {strides = array<i32>} : memref<40xi32, #tpu.memory_space<vmem>>, vector<16xi32>,
        %swap3A_548 = vector.shape_cast %swap3A_547 : vector<16xi32> to vector<16xi32>
        %swap3A_549 = vector.shape_cast %shift_right_logical3A_545 : vector<16xi32> to vector<16xi32>
        tpu.vector_store %arg16[%swap3A_546], %swap3A_549 {strides = array<i32>} : memref<40xi32, #tpu.memory_space<vmem>>, vector<16xi32>,
        %mul3A_550 = arith.constant 40 : i32
        %mul3A_551 = arith.muli %add3A_499, %mul3A_550 : i32
        %add3A_552 = arith.constant 24 : i32
        %add3A_553 = arith.addi %mul3A_551, %add3A_552 : i32
        %get3A_554 = arith.index_cast %add3A_553 : i32 to index
        %get3A_555 = tpu.vector_load %arg6[%get3A_554] {strides = array<i32>} : memref<10000xi32, #tpu.memory_space<vmem>>, vector<16xi32>,
        %get3A_556 = vector.shape_cast %get3A_555 : vector<16xi32> to vector<16xi32>
        %and3A_557 = arith.andi %get3A_556, %broadcast_in_dim3A_193 : vector<16xi32>
        %swap3A_558 = arith.constant 24 : index
        %swap3A_559 = tpu.vector_load %arg11[%swap3A_558] {strides = array<i32>} : memref<40xi32, #tpu.memory_space<vmem>>, vector<16xi32>,
        %swap3A_560 = vector.shape_cast %swap3A_559 : vector<16xi32> to vector<16xi32>
        %swap3A_561 = vector.shape_cast %and3A_557 : vector<16xi32> to vector<16xi32>
        tpu.vector_store %arg11[%swap3A_558], %swap3A_561 {strides = array<i32>} : memref<40xi32, #tpu.memory_space<vmem>>, vector<16xi32>,
        %shift_right_logical3A_562 = arith.constant 14 : i32
        %shift_right_logical3A_563 = vector.broadcast %shift_right_logical3A_562 : i32 to vector<16xi32>
        %shift_right_logical3A_564 = arith.shrui %get3A_556, %shift_right_logical3A_563 : vector<16xi32>
        %swap3A_565 = arith.constant 24 : index
        %swap3A_566 = tpu.vector_load %arg16[%swap3A_565] {strides = array<i32>} : memref<40xi32, #tpu.memory_space<vmem>>, vector<16xi32>,
        %swap3A_567 = vector.shape_cast %swap3A_566 : vector<16xi32> to vector<16xi32>
        %swap3A_568 = vector.shape_cast %shift_right_logical3A_564 : vector<16xi32> to vector<16xi32>
        tpu.vector_store %arg16[%swap3A_565], %swap3A_568 {strides = array<i32>} : memref<40xi32, #tpu.memory_space<vmem>>, vector<16xi32>,
        %dma_start3A_569 = arith.constant 0 : i32
        %dma_start3A_570 = arith.constant 0 : i32
        %dma_start3A_571 = tpu.memref_slice %arg2[%dma_start3A_569, %dma_start3A_570] : memref<10000x128xf32, #tpu.memory_space<hbm>> -> memref<10000x128xf32, #tpu.memory_space<hbm>>
        tpu.enqueue_indirect_dma source(%dma_start3A_571 : memref<10000x128xf32, #tpu.memory_space<hbm>>) target(%arg21 : memref<40x128xf32, #tpu.memory_space<vmem>>) offsets(%arg11 : memref<40xi32, #tpu.memory_space<vmem>>) semaphore(%arg30 : memref<!tpu.dma_semaphore, #tpu.memory_space<semaphore_mem>>)
      } else {
      }
    }
    %scan3A_436 = arith.constant 50 : i32
    %barrier3A_437 = arith.constant 0 : index
    tpu.barrier barrier_id(%barrier3A_437)
    "tpu.region"() ({
      %run_scoped3A = tpu.sem_alloc : memref<!tpu.dma_semaphore, #tpu.memory_space<semaphore_mem>>
      %dma_start3A_440 = arith.constant 0 : i32
      %dma_start3A_441 = tpu.memref_slice %arg4[%arg0, %mul3A_2, %dma_start3A_440] : memref<2x10240x128xf32, #tpu.memory_space<hbm>> -> memref<1x640x128xf32, #tpu.memory_space<hbm>>
      %dma_start3A_442 = tpu.memref_squeeze %dma_start3A_441 : memref<1x640x128xf32, #tpu.memory_space<hbm>> -> memref<640x128xf32, #tpu.memory_space<hbm>>
      %dma_start3A_443 = arith.constant 0 : i32
      %dma_start3A_444 = tpu.memref_slice %arg24[%mul3A_2, %dma_start3A_443] : memref<10240x128xf32, #tpu.memory_space<vmem_shared>> -> memref<640x128xf32, #tpu.memory_space<vmem_shared>>
      tpu.enqueue_dma source(%dma_start3A_444 : memref<640x128xf32, #tpu.memory_space<vmem_shared>>) target(%dma_start3A_442 : memref<640x128xf32, #tpu.memory_space<hbm>>) target_semaphore(%run_scoped3A : memref<!tpu.dma_semaphore, #tpu.memory_space<semaphore_mem>>)
      %dma_wait3A_445 = arith.constant 0 : i32
      %dma_wait3A_446 = tpu.memref_slice %arg4[%arg0, %mul3A_2, %dma_wait3A_445] : memref<2x10240x128xf32, #tpu.memory_space<hbm>> -> memref<1x640x128xf32, #tpu.memory_space<hbm>>
      %dma_wait3A_447 = tpu.memref_squeeze %dma_wait3A_446 : memref<1x640x128xf32, #tpu.memory_space<hbm>> -> memref<640x128xf32, #tpu.memory_space<hbm>>
      %dma_wait3A_448 = arith.constant 0 : i32
      %dma_wait3A_449 = tpu.memref_slice %arg24[%mul3A_2, %dma_wait3A_448] : memref<10240x128xf32, #tpu.memory_space<vmem_shared>> -> memref<640x128xf32, #tpu.memory_space<vmem_shared>>
      tpu.wait_dma2 semaphore(%run_scoped3A : memref<!tpu.dma_semaphore, #tpu.memory_space<semaphore_mem>>) src(%dma_wait3A_449 : memref<640x128xf32, #tpu.memory_space<vmem_shared>>) dst(%dma_wait3A_447 : memref<640x128xf32, #tpu.memory_space<hbm>>)
      tpu.yield
    }) : () -> ()
    %eq3A = arith.constant 0 : i32
    %eq3A_438 = arith.cmpi eq, %arg1, %eq3A : i32
    %convert_element_type3A = arith.extui %eq3A_438 : i1 to i32
    %cond3A = arith.constant 0 : i32
    %cond3A_439 = arith.cmpi ne, %convert_element_type3A, %cond3A : i32
    scf.if %cond3A_439 {
      "tpu.region"() ({
        %run_scoped3A = tpu.sem_alloc : memref<!tpu.dma_semaphore, #tpu.memory_space<semaphore_mem>>
        %dma_start3A_440 = arith.constant 0 : i32
        %dma_start3A_441 = tpu.memref_slice %arg5[%arg0, %dma_start3A_440] : memref<2x10240xf32, #tpu.memory_space<hbm>> -> memref<1x10240xf32, #tpu.memory_space<hbm>>
        %dma_start3A_442 = tpu.memref_squeeze %dma_start3A_441 : memref<1x10240xf32, #tpu.memory_space<hbm>> -> memref<10240xf32, #tpu.memory_space<hbm>>
        tpu.enqueue_dma source(%arg25 : memref<10240xf32, #tpu.memory_space<vmem_shared>>) target(%dma_start3A_442 : memref<10240xf32, #tpu.memory_space<hbm>>) target_semaphore(%run_scoped3A : memref<!tpu.dma_semaphore, #tpu.memory_space<semaphore_mem>>)
        %dma_wait3A_443 = arith.constant 0 : i32
        %dma_wait3A_444 = tpu.memref_slice %arg5[%arg0, %dma_wait3A_443] : memref<2x10240xf32, #tpu.memory_space<hbm>> -> memref<1x10240xf32, #tpu.memory_space<hbm>>
        %dma_wait3A_445 = tpu.memref_squeeze %dma_wait3A_444 : memref<1x10240xf32, #tpu.memory_space<hbm>> -> memref<10240xf32, #tpu.memory_space<hbm>>
        tpu.wait_dma2 semaphore(%run_scoped3A : memref<!tpu.dma_semaphore, #tpu.memory_space<semaphore_mem>>) src(%arg25 : memref<10240xf32, #tpu.memory_space<vmem_shared>>) dst(%dma_wait3A_445 : memref<10240xf32, #tpu.memory_space<hbm>>)
        tpu.yield
      }) : () -> ()
    } else {
    }
    return
  }
}

module attributes {stable_mosaic.version = 14 : i64} {
  func.func @body(%arg0: i32, %arg1: memref<2x1280x128xf32, #tpu.memory_space<vmem>>, %arg2: memref<2x1280xf32, #tpu.memory_space<vmem>>, %arg3: memref<128x128xf32, #tpu.memory_space<vmem>>, %arg4: memref<1x128xf32, #tpu.memory_space<vmem>>, %arg5: memref<1280x128xf32, #tpu.memory_space<vmem>>) attributes {dimension_semantics = [#tpu.dimension_semantics<arbitrary>], iteration_bounds = array<i64: 8>, scalar_prefetch = 0 : i64, scratch_operands = 0 : i64, tpu.core_type = #tpu.core_type<tc>, window_params = [{transform_indices = @transform_0, window_bounds = array<i64: 2, 1280, 128>}, {transform_indices = @transform_1, window_bounds = array<i64: 2, 1280>}, {pipeline_mode = #tpu.pipeline_mode<synchronous>, transform_indices = @transform_2, window_bounds = array<i64: 128, 128>}, {pipeline_mode = #tpu.pipeline_mode<synchronous>, transform_indices = @transform_3, window_bounds = array<i64: 1, 128>}, {transform_indices = @transform_4, window_bounds = array<i64: 1280, 128>}]} {
    %get3A = arith.constant 0 : index
    %get3A_0 = arith.constant 0 : index
    %get3A_1 = arith.constant 0 : index
    %get3A_2 = vector.load %arg1[%get3A, %get3A_0, %get3A_1] : memref<2x1280x128xf32, #tpu.memory_space<vmem>>, vector<1x1280x128xf32>
    %get3A_3 = vector.shape_cast %get3A_2 : vector<1x1280x128xf32> to vector<1280x128xf32>
    %get3A_4 = arith.constant 1 : index
    %get3A_5 = arith.constant 0 : index
    %get3A_6 = arith.constant 0 : index
    %get3A_7 = vector.load %arg1[%get3A_4, %get3A_5, %get3A_6] : memref<2x1280x128xf32, #tpu.memory_space<vmem>>, vector<1x1280x128xf32>
    %get3A_8 = vector.shape_cast %get3A_7 : vector<1x1280x128xf32> to vector<1280x128xf32>
    %add3A = arith.addf %get3A_3, %get3A_8 : vector<1280x128xf32>
    %get3A_9 = arith.constant 0 : index
    %get3A_10 = arith.constant 0 : index
    %get3A_11 = vector.load %arg2[%get3A_9, %get3A_10] : memref<2x1280xf32, #tpu.memory_space<vmem>>, vector<1x1280xf32>
    %get3A_12 = vector.shape_cast %get3A_11 : vector<1x1280xf32> to vector<1280xf32>
    %get3A_13 = arith.constant 1 : index
    %get3A_14 = arith.constant 0 : index
    %get3A_15 = vector.load %arg2[%get3A_13, %get3A_14] : memref<2x1280xf32, #tpu.memory_space<vmem>>, vector<1x1280xf32>
    %get3A_16 = vector.shape_cast %get3A_15 : vector<1x1280xf32> to vector<1280xf32>
    %add3A_17 = arith.addf %get3A_12, %get3A_16 : vector<1280xf32>
    %max3A = arith.constant 1.000000e+00 : f32
    %max3A_18 = vector.broadcast %max3A : f32 to vector<1280xf32>
    %max3A_19 = arith.maximumf %add3A_17, %max3A_18 : vector<1280xf32>
    %broadcast_in_dim3A = vector.shape_cast %max3A_19 : vector<1280xf32> to vector<1280x1xf32>
    %div3A = vector.broadcast %broadcast_in_dim3A : vector<1280x1xf32> to vector<1280x128xf32>
    %div3A_20 = arith.divf %add3A, %div3A : vector<1280x128xf32>
    %div3A_21 = arith.divf %add3A_17, %max3A_19 : vector<1280xf32>
    %broadcast_in_dim3A_22 = vector.shape_cast %div3A_21 : vector<1280xf32> to vector<1280x1xf32>
    %get3A_23 = arith.constant 0 : index
    %get3A_24 = arith.constant 0 : index
    %get3A_25 = vector.load %arg3[%get3A_23, %get3A_24] : memref<128x128xf32, #tpu.memory_space<vmem>>, vector<128x128xf32>
    %dot_general3A = arith.constant dense<0.000000e+00> : vector<1280x128xf32>
    %dot_general3A_26 = tpu.matmul %div3A_20, %get3A_25, %dot_general3A {dimension_numbers = #tpu.dot_dimension_numbers<[1], [0], [0], [1], [0, 0, 1, 1], [], []>, transpose_lhs_hint = false} : vector<1280x128xf32>, vector<128x128xf32>, vector<1280x128xf32> -> vector<1280x128xf32>
    %get3A_27 = arith.constant 0 : index
    %get3A_28 = arith.constant 0 : index
    %get3A_29 = vector.load %arg4[%get3A_27, %get3A_28] : memref<1x128xf32, #tpu.memory_space<vmem>>, vector<1x128xf32>
    %mul3A = vector.broadcast %broadcast_in_dim3A_22 : vector<1280x1xf32> to vector<1280x128xf32>
    %mul3A_30 = vector.broadcast %get3A_29 : vector<1x128xf32> to vector<1280x128xf32>
    %mul3A_31 = arith.mulf %mul3A, %mul3A_30 : vector<1280x128xf32>
    %add3A_32 = arith.addf %dot_general3A_26, %mul3A_31 : vector<1280x128xf32>
    %swap3A = arith.constant 0 : index
    %swap3A_33 = arith.constant 0 : index
    %swap3A_34 = vector.load %arg5[%swap3A, %swap3A_33] : memref<1280x128xf32, #tpu.memory_space<vmem>>, vector<1280x128xf32>
    tpu.vector_store %arg5[%swap3A, %swap3A_33], %add3A_32 {strides = array<i32>} : memref<1280x128xf32, #tpu.memory_space<vmem>>, vector<1280x128xf32>,
    return
  }
  func.func @transform_0(%arg0: i32) -> (i32, i32, i32) {
    %c0_i32 = arith.constant 0 : i32
    %c0_i32_0 = arith.constant 0 : i32
    %c0_i32_1 = arith.constant 0 : i32
    return %c0_i32, %arg0, %c0_i32_0 : i32, i32, i32
  }
  func.func @transform_1(%arg0: i32) -> (i32, i32) {
    %c0_i32 = arith.constant 0 : i32
    %c0_i32_0 = arith.constant 0 : i32
    return %c0_i32, %arg0 : i32, i32
  }
  func.func @transform_2(%arg0: i32) -> (i32, i32) {
    %c0_i32 = arith.constant 0 : i32
    %c0_i32_0 = arith.constant 0 : i32
    %c0_i32_1 = arith.constant 0 : i32
    return %c0_i32, %c0_i32_0 : i32, i32
  }
  func.func @transform_3(%arg0: i32) -> (i32, i32) {
    %c0_i32 = arith.constant 0 : i32
    %c0_i32_0 = arith.constant 0 : i32
    %c0_i32_1 = arith.constant 0 : i32
    return %c0_i32, %c0_i32_0 : i32, i32
  }
  func.func @transform_4(%arg0: i32) -> (i32, i32) {
    %c0_i32 = arith.constant 0 : i32
    %c0_i32_0 = arith.constant 0 : i32
    return %arg0, %c0_i32 : i32, i32
  }
}

module attributes {stable_mosaic.version = 14 : i64} {
  func.func @body(%arg0: memref<2x320000xi32, #tpu.memory_space<vmem>>, %arg1: memref<320000xi32, #tpu.memory_space<vmem>>) attributes {dimension_semantics = [], scalar_prefetch = 0 : i64, scratch_operands = 0 : i64, tpu.core_type = #tpu.core_type<tc>} {
    %get3A = arith.constant 1 : index
    %get3A_0 = arith.constant 0 : index
    %get3A_1 = vector.load %arg0[%get3A, %get3A_0] : memref<2x320000xi32, #tpu.memory_space<vmem>>, vector<1x320000xi32>
    %get3A_2 = vector.shape_cast %get3A_1 : vector<1x320000xi32> to vector<320000xi32>
    %shift_left3A = arith.constant 14 : i32
    %shift_left3A_3 = vector.broadcast %shift_left3A : i32 to vector<320000xi32>
    %shift_left3A_4 = arith.shli %get3A_2, %shift_left3A_3 : vector<320000xi32>
    %get3A_5 = arith.constant 0 : index
    %get3A_6 = arith.constant 0 : index
    %get3A_7 = vector.load %arg0[%get3A_5, %get3A_6] : memref<2x320000xi32, #tpu.memory_space<vmem>>, vector<1x320000xi32>
    %get3A_8 = vector.shape_cast %get3A_7 : vector<1x320000xi32> to vector<320000xi32>
    %or3A = arith.ori %shift_left3A_4, %get3A_8 : vector<320000xi32>
    %swap3A = arith.constant 0 : index
    %swap3A_9 = vector.load %arg1[%swap3A] : memref<320000xi32, #tpu.memory_space<vmem>>, vector<320000xi32>
    tpu.vector_store %arg1[%swap3A], %or3A {strides = array<i32>} : memref<320000xi32, #tpu.memory_space<vmem>>, vector<320000xi32>,
    return
  }
}

</mosaic_0001>

<sc_bundles>
// kernel: kernel.5.cloned.1.call-start
scs
__scs_entry_jumppad:
0x0: {  	(pc) =	sbr.rel $0x88, $3  }
0x1: {  	(tag) =	ssettag $0x0;
	lr =	simm.s32 $0x1  }
0x2: {  	[smem:$0x3F9D] =	sst lr;
	_ =	strace $0xD0000000  }
0x3: {  	_ = 	snop  }
0x4: {  	_ = 	snop  }
0x5: {  	_ = 	snop  }
0x6: {  	_ = 	snop  }
0x7: {  	_ = 	snop  }
__scs_overlays_trampoline_lowered:
0x8: {  	[smem:$0x3FAC] =	sst s0  }
0x9: {  	[smem:$0x3FAD] =	sst s1  }
0xa: {  	[smem:$0x3FAE] =	sst s2  }
0xb: {  	[smem:$0x3FAF] =	sst s3  }
0xc: {  	[smem:$0x3FB0] =	sst s4  }
0xd: {  	[smem:$0x3FB1] =	sst s5  }
0xe: {  	[smem:$0x3FB2] =	sst s6  }
0xf: {  	[smem:$0x3FB3] =	sst s7  }
0x10: {  	[smem:$0x3FB4] =	sst s8  }
0x11: {  	[smem:$0x3FB5] =	sst s9;
	s0 =	simm.s32 @!p0 $0x0  }
0x12: {  	s1 =	sld [smem:$0x3F9B];
	s0 =	simm.s32 @p0 $0x1  }
0x13: {  	[smem:$0x3FB6] =	sst s0;
	s0 =	simm.s32 @!p1 $0x0  }
0x14: {  	s2 =	sld [smem:$0x3F9A];
	s0 =	simm.s32 @p1 $0x1  }
0x15: {  	[smem:$0x3FB7] =	sst s0;
	s0 =	simm.s32 @!p2 $0x0  }
0x16: {  	s3 =	sld [smem:$0x3FDB];
	s0 =	simm.s32 @p2 $0x1  }
0x17: {  	s4 =	simm.s32 $0x1BF5;
	[smem:$0x3FB9] =	sst s0  }
0x18: {  	s0 =	sld [smem:$0x3F9C];
	_ =	swait.ge [sflag:s4], $0x0  }
0x19: {  	s7 =	sld [smem:$0x3F9D]  }
0x1a: {  	s8 =	sadd.s32 $0xFFFFE003, lr  }
0x1b: {  	s9 =	sadd.s32 $0xFFFFFEF7, lr;
	s5 =	simm.s32 $0xFFFFFFFF;
	p2 =	slt.u32 s8, $0xFFFFF086  }
0x1c: {  	p1 =	slt.u32 s9, $0xF7A;
	s5 =	simm.s32 @!p2 $0x0  }
0x1d: {  	s5 =	simm.s32 @p1 $0x1;
	p0 =	seq.s32 s7, s2  }
0x1e: {  	s7 =	smul.u32 @!p0 $0xF7A, s2;
	p2 =	seq.s32 @!p0 s5, $0x0  }
0x1f: {  	s9 =	smul.u32 $0xF7A, s1;
	s8 =	simm.s32 @!p0 $0x1BF5;
	p2 =	por !p2, p0  }
0x20: {  	[sflag:s8] =	ssyncset.s32 @!p0 $0xFFFFF086;
	s6 =	sadd.s32 @!p0 s3, s7;
	s7 =	simm.s32 @!p0 $0x108  }
0x21: {  	s3 =	sadd.s32 s3, s9;
	s6 =	sadd.s32 @!p0 $0x88, s6;
	s7 =	simm.s32 @p2 $0x1082  }
0x22: {  	[simem:s7], [sflag:s8] =	dma.local @!p0 [hbm:s6], $0xF7A  }
0x23: {  	s9 =	sor.u32 $0xD0000000, s2;
	s6 =	simm.s32 $0x108;
	_ =	swait.ge @!p0 [sflag:s8], $0x0  }
0x24: {  	s3 =	sadd.s32 $0x88, s3;
	s6 =	simm.s32 @!p1 $0x1082;
	[sflag:s4] =	ssyncset.s32 $0xFFFFF086  }
0x25: {  	[simem:s6], [sflag:s4] =	dma.local [hbm:s3], $0xF7A  }
0x26: {  	[smem:$0x3F9D] =	sst s1;
	(tag) =	ssettag s2;
	_ =	strace s9  }
0x27: {  	s1 =	sld [smem:$0x3FAD]  }
0x28: {  	s2 =	sld [smem:$0x3FAE]  }
0x29: {  	s4 =	sld [smem:$0x3FB0]  }
0x2a: {  	p0 =	seq.s32 s5, $0x0;
	s5 =	sld [smem:$0x3FB1]  }
0x2b: {  	s6 =	sld [smem:$0x3FB2]  }
0x2c: {  	s7 =	sld [smem:$0x3FB3]  }
0x2d: {  	s3 =	simm.s32 $0x108;
	s8 =	sld [smem:$0x3FB4]  }
0x2e: {  	s3 =	simm.s32 @!p0 $0x1082;
	s9 =	sld [smem:$0x3FB5]  }
0x2f: {  	lr =	sadd.s32 s0, s3;
	s0 =	sld [smem:$0x3FAC]  }
0x30: {  	s3 =	sld [smem:$0x3FAF]  }
0x31: {  	[smem:$0x3FB8] =	sst s10  }
0x32: {  	s10 =	sld [smem:$0x3FB6];
	_ =	sdelay $0x3  }
0x33: {  	p0 =	seq.s32 s10, $0x1;
	s10 =	sld [smem:$0x3FB8];
	_ =	sdelay $0x3  }
0x34: {  	[smem:$0x3FB8] =	sst s10  }
0x35: {  	s10 =	sld [smem:$0x3FB7];
	_ =	sdelay $0x3  }
0x36: {  	p1 =	seq.s32 s10, $0x1;
	s10 =	sld [smem:$0x3FB8];
	_ =	sdelay $0x3  }
0x37: {  	[smem:$0x3FB8] =	sst s10  }
0x38: {  	s10 =	sld [smem:$0x3FB9]  }
0x39: {  	_ = 	snop;
	(pc) =	sbr.ind lr, $3  }
0x3a: {  	_ = 	snop  }
0x3b: {  	_ = 	snop  }
0x3c: {  	p2 =	seq.s32 s10, $0x1;
	s10 =	sld [smem:$0x3FB8]  }
0x3d: {  	_ =	shalt  }
0x3e: {  	_ =	shalt  }
0x3f: {  	_ =	shalt  }
0x40: {  	_ =	shalt  }
0x41: {  	_ =	shalt  }
0x42: {  	_ =	shalt  }
0x43: {  	_ =	shalt  }
0x44: {  	_ =	shalt  }
0x45: {  	_ =	shalt  }
0x46: {  	_ =	shalt  }
0x47: {  	_ =	shalt  }
0x48: {  	_ =	shalt  }
0x49: {  	_ =	shalt  }
0x4a: {  	_ =	shalt  }
0x4b: {  	_ =	shalt  }
0x4c: {  	_ =	shalt  }
0x4d: {  	_ =	shalt  }
0x4e: {  	_ =	shalt  }
0x4f: {  	_ =	shalt  }
0x50: {  	_ =	shalt  }
0x51: {  	_ =	shalt  }
0x52: {  	_ =	shalt  }
0x53: {  	_ =	shalt  }
0x54: {  	_ =	shalt  }
0x55: {  	_ =	shalt  }
0x56: {  	_ =	shalt  }
0x57: {  	_ =	shalt  }
0x58: {  	_ =	shalt  }
0x59: {  	_ =	shalt  }
0x5a: {  	_ =	shalt  }
0x5b: {  	_ =	shalt  }
0x5c: {  	_ =	shalt  }
0x5d: {  	_ =	shalt  }
0x5e: {  	_ =	shalt  }
0x5f: {  	_ =	shalt  }
0x60: {  	_ =	shalt  }
0x61: {  	_ =	shalt  }
0x62: {  	_ =	shalt  }
0x63: {  	_ =	shalt  }
0x64: {  	_ =	shalt  }
0x65: {  	_ =	shalt  }
0x66: {  	_ =	shalt  }
0x67: {  	_ =	shalt  }
0x68: {  	_ =	shalt  }
0x69: {  	_ =	shalt  }
0x6a: {  	_ =	shalt  }
0x6b: {  	_ =	shalt  }
0x6c: {  	_ =	shalt  }
0x6d: {  	_ =	shalt  }
0x6e: {  	_ =	shalt  }
0x6f: {  	_ =	shalt  }
0x70: {  	_ =	shalt  }
0x71: {  	_ =	shalt  }
0x72: {  	_ =	shalt  }
0x73: {  	_ =	shalt  }
0x74: {  	_ =	shalt  }
0x75: {  	_ =	shalt  }
0x76: {  	_ =	shalt  }
0x77: {  	_ =	shalt  }
0x78: {  	_ =	shalt  }
0x79: {  	_ =	shalt  }
0x7a: {  	_ =	shalt  }
0x7b: {  	_ =	shalt  }
0x7c: {  	_ =	shalt  }
0x7d: {  	_ =	shalt  }
0x7e: {  	_ =	shalt  }
0x7f: {  	_ =	shalt  }
0x80: {  	_ =	shalt  }
0x81: {  	_ =	shalt  }
0x82: {  	_ =	shalt  }
0x83: {  	_ =	shalt  }
0x84: {  	_ =	shalt  }
0x85: {  	_ =	shalt  }
0x86: {  	_ =	shalt  }
0x87: {  	_ =	shalt  }
.Lfunc_end0:
.L_simem_size_0:
called_computation_lowered:
.L_overlay_start_0:
0x88: {  	s2 =	sld [smem:$0x3FD9]  }
0x89: {  	s3 =	sld [smem:$0x3FFE];
	_ =	sdelay $0x1  }
0x8a: {  	s1 =	srdreg.scid  }
0x8b: {  	s0 =	sand.u32 $0x1, s1  }
0x8c: {  	s17 =	sshll.u32 s0, $0xA;
	s2 =	sadd.s32 s3, s2  }
0x8d: {  	s2 =	sadd.s32 s2, s17  }
0x8e: {  	[smem:$0x3FC4] =	sst s2  }
0x8f: {  	_ = 	snop  }
0x90: {  	s2 =	sld [smem:$0x3FC9]  }
0x91: {  	s18 =	sld [smem:$0x3FD0];
	(tm) =	ssettm $0x1  }
0x92: {  	s4 =	sld [smem:$0x3FFB];
	_ =	sdelay $0x3  }
0x93: {  	_ =	strace s4  }
0x94: {  	s4 =	sld [smem:$0x3FFC];
	_ =	sdelay $0x3  }
0x95: {  	_ =	strace s4  }
0x96: {  	s4 =	sld [smem:$0x3FFD];
	_ =	sdelay $0x3  }
0x97: {  	_ =	strace s4  }
0x98: {  	_ =	strace $0x8FFFFFFF  }
0x99: {  	s19 =	sld [smem:$0x3FDB];
	_ =	sdelay $0x1  }
0x9a: {  	s5 =	simm.s32 $_scs_section_size  }
0x9b: {  	s6 =	simm.s32 $_size__tile_overlayer_lowered;
	s7 =	simm.s32 $_tile_overlayer_lowered  }
0x9c: {  	s22 =	simm.s32 $0x1BFF;
	s21 =	sshll.u32 s7, $0x1;
	s4 =	sadd.s32 s5, s19  }
0x9d: {  	s8 =	simm.s32 $0x0;
	s20 =	sshll.u32 s6, $0x1;
	s6 =	sadd.s32 s21, s4  }
0x9e: {  	[timem:s8], [sflag:s22] =	dma.local [hbm:s6], s20  }
0x9f: {  	_ =	swait.ge [sflag:s22], s20  }
0xa0: {  	s5 =	ssub.s32 $0x0, s20;
	[sflag:s22] =	ssyncset.done $0x0  }
0xa1: {  	[sflag:s22] =	ssyncadd.s32 s5;
	_ =	sdelay $0x1  }
0xa2: {  	s23 =	simm.s32 $0x1B8B  }
0xa3: {  	_ =	swait.ge [sflag:s23], $0x1  }
0xa4: {  	[sflag:s23] =	ssyncset.done $0x0  }
0xa5: {  	s25 =	simm.s32 $0x1B8E;
	s24 =	sld [smem:$0x3FFE];
	[sflag:s23] =	ssyncadd.s32 $0xFFFFFFFF  }
0xa6: {  	s26 =	simm.s32 $execute0_lowered;
	[smem:$0x3FD2] =	sst s25  }
0xa7: {  	s6 =	sshll.u32 s26, $0x1;
	_ =	strace $0x80000046;
	[dreg:$0x1] =	wrdreg $0xFFFFFFFF  }
0xa8: {  	s28 =	simm.s32 $_size_execute0_lowered;
	s4 =	sadd.s32 s4, s6;
	[dreg:$0x0] =	wrdreg $0x0  }
0xa9: {  	s6 =	sshll.u32 s28, $0x1;
	[dreg:$0x2] =	wrdreg s4  }
0xaa: {  	[dreg:$0x3] =	wrdreg s6  }
0xab: {  	[dreg:$0x4] =	wrdreg $0xC0  }
0xac: {  	_ =	task [dreg:s8], $0x5FFFF  }
0xad: {  	[dreg:$0x1] =	wrdreg $0xFFFFFFFF  }
0xae: {  	[dreg:$0x0] =	wrdreg $0x60  }
0xaf: {  	[dreg:$0x2] =	wrdreg s2  }
0xb0: {  	[dreg:$0x3] =	wrdreg s18  }
0xb1: {  	[dreg:$0x4] =	wrdreg s24  }
0xb2: {  	[dreg:$0x5] =	wrdreg $0x93800  }
0xb3: {  	[dreg:$0x6] =	wrdreg $0x1D3800  }
0xb4: {  	[dreg:$0x7] =	wrdreg $0x9  }
0xb5: {  	_ =	task.clear_ibuf [dreg:s8], $0x8FFFF;
	_ =	strace $0x90000046  }
0xb6: {  	s29 =	simm.s32 $0x9;
	_ =	strace $0x80000048  }
0xb7: {  	_ =	swait.ge [sflag:s29], $0x1  }
0xb8: {  	[sflag:s29] =	ssyncadd.s32 $0xFFFFFFFF  }
0xb9: {  	_ =	strace $0x90000048  }
0xba: {  	_ =	sfence  }
0xbb: {  	s30 =	sld [smem:$0x0];
	_ =	sdelay $0x2  }
0xbc: {  	s31 =	sshll.u32 s1, $0xD;
	s1 =	sshrl.u32 s1, $0x2  }
0xbd: {  	s3 =	sand.u32 $0x4000, s31;
	s1 =	sadd.s32 s1, s30  }
0xbe: {  	s0 =	sor.u32 s3, s0;
	s1 =	sshll.u32 s1, $0x11  }
0xbf: {  	s0 =	sor.u32 s1, s0  }
0xc0: {  	s0 =	sadd.s32 $0x8F2B, s0  }
0xc1: {  	[sflag:s0] =	ssyncadd.remote.s32 $0x1  }
0xc2: {  	_ =	sfence.sel $0xFFFF  }
0xc3: {  	[dreg:$0x0] =	wrdreg $0xFFFFFFFF;
	(pc) =	sbr.abs _section_cstart, $3  }
0xc4: {  	[dreg:$0x1] =	wrdreg $0xFFFFFFFF  }
0xc5: {  	_ =	task.clear_ibuf [dreg:s8], $0x2FFFF;
	_ =	strace $0x9FFFFFFF  }
0xc6: {  	(tm) =	ssettm $0x7FFFFFFF  }
0xc7: {  	_ =	shalt  }
tec
execute0_lowered:
.L_overlay_start_1:
0x0: {  	(tag) =	ssettag $0x1  }
0x1: {  	s0 =	rddreg [dreg:$0x0]  }
0x2: {  	s2 =	rddreg [dreg:$0x1]  }
0x3: {  	s4 =	rddreg [dreg:$0x2]  }
0x4: {  	s1 =	rddreg [dreg:$0x3];
	s10 =	stileid.u32  }
0x5: {  	s5 =	srdreg.scid;
	s7 =	smul.u32 $0x14000, s10  }
0x6: {  	s3 =	rddreg [dreg:$0x4];
	s5 =	sand.u32 $0x1, s5;
	s9 =	smul.u32 $0x50000, s10  }
0x7: {  	s8 =	simm.s32 $0x0;
	s28 =	simm.s32 $0x7;
	s6 =	smul.u32 $0x140000, s5  }
0x8: {  	s29 =	simm.s32 $0x2C80;
	s31 =	simm.s32 $0x1;
	s9 =	sshrl.u32 s9, $0x2  }
0x9: {  	s30 =	simm.s32 $0x5480;
	s6 =	sadd.s32 s7, s6;
	s7 =	sadd.s32 s9, s1  }
0xa: {  	[smem:$0x7FF] =	sst s8;
	s16 =	smul.u32 $0xA00, s10;
	s26 =	sadd.s32 $0x1400, s7  }
0xb: {  	_ =	strace $0x80000047;
	s9 =	sadd.s32 $0x3C00, s7;
	[dreg:$0x7] =	wrdreg s26  }
0xc: {  	p0 =	sne.s32 s10, $0x0;
	s11 =	sadd.s32 $0x5000, s7;
	[dreg:$0x9] =	wrdreg s9  }
0xd: {  	s23 =	sshll.u32 s5, $0x4;
	s12 =	sadd.s32 $0x6400, s7;
	[dreg:$0xa] =	wrdreg s11  }
0xe: {  	s5 =	ssub.s32 $0x2, s5;
	s13 =	sadd.s32 $0x7800, s7;
	[dreg:$0xb] =	wrdreg s12  }
0xf: {  	s24 =	sor.u32 s10, s23;
	s14 =	sadd.s32 $0x8C00, s7;
	[dreg:$0xc] =	wrdreg s13  }
0x10: {  	s25 =	sshrl.u32 s5, $0x1;
	s15 =	sadd.s32 $0xA000, s7;
	[dreg:$0xd] =	wrdreg s14  }
0x11: {  	s10 =	simm.s32 $0x9080;
	s17 =	sadd.s32 $0xB400, s7;
	[dreg:$0xe] =	wrdreg s15  }
0x12: {  	s8 =	smul.u32 $0x4E2, s24;
	s18 =	sadd.s32 $0xC800, s7;
	[dreg:$0xf] =	wrdreg s17  }
0x13: {  	s5 =	ssub.s32 s5, s25;
	s19 =	sadd.s32 $0xDC00, s7;
	[dreg:$0x10] =	wrdreg s18  }
0x14: {  	s6 =	sshrl.u32 s6, $0x3;
	s20 =	sadd.s32 $0xF000, s7;
	[dreg:$0x11] =	wrdreg s19  }
0x15: {  	s21 =	sadd.s32 $0x10400, s7;
	s22 =	sadd.s32 $0x11800, s7;
	[dreg:$0x12] =	wrdreg s20  }
0x16: {  	s25 =	smax.u32 s5, $0x1;
	s5 =	simm.s32 $0x4080;
	[dreg:$0x13] =	wrdreg s21  }
0x17: {  	s6 =	sadd.s32 s6, s4;
	s4 =	sadd.s32 s23, s4;
	[dreg:$0x14] =	wrdreg s22  }
0x18: {  	s2 =	sadd.s32 s2, s8;
	s8 =	sadd.s32 $0x2800, s7;
	[dreg:$0x18] =	wrdreg s25  }
0x19: {  	s26 =	sadd.s32 $0x12C00, s7;
	s9 =	simm.s32 $0x2A00;
	s11 =	simm.s32 $0x6  }
0x1a: {  	s12 =	simm.s32 $0x2;
	s13 =	simm.s32 $0x2A80;
	s14 =	simm.s32 $0x3  }
0x1b: {  	s15 =	simm.s32 $0x2B00;
	s17 =	simm.s32 $0x2B80;
	s18 =	simm.s32 $0x5  }
0x1c: {  	s19 =	simm.s32 $0x2C00;
	s20 =	simm.s32 $0x0;
	[dreg:$0x6] =	wrdreg s2  }
.Ltmp0:
0x1d: {  	[dreg:$0x8] =	wrdreg s8;
	s2 =	sshrl.u32 s16, $0x2;
	(pc) =	sbr.rel .LBB2_1-.Ltmp0, $4  }
0x1e: {  	s23 =	sadd.s32 $0x1400, s6;
	s24 =	sadd.s32 $0x51400, s4;
	[dreg:$0x19] =	wrdreg s26  }
0x1f: {  	s4 =	simm.s32 $0x6880;
	s6 =	simm.s32 $0x2980;
	[dreg:$0x16] =	wrdreg s23  }
0x20: {  	s8 =	simm.s32 $0x7C80;
	s2 =	sadd.s32 s2, s3;
	[dreg:$0x17] =	wrdreg s24  }
0x21: {  	v0 =	vimm.f32 $0.0e+00;
	v1 =	vimm.f32 $1.000000000e+00;
	s16 =	simm.s32 $0x4;
	[dreg:$0x15] =	wrdreg s2;
	s2 =	simm.s32 $0x28  }
.LBB2_6:
0x22: {  	s21 =	stileid.u32  }
0x23: {  	[bflag:$0x0] =	sbarrier.arrive $0xFFFF;
	s21 =	sshll.u32 s21, $0x6  }
0x24: {  	s22 =	sshrl.u32 s7, $0x3;
	s23 =	rddreg [dreg:$0x16];
	s21 =	sor.u32 $0x1C07, s21  }
0x25: {  	[hbm:s23], [sflag:s21] =	dma.local [spmem:s22], $0x2800  }
0x26: {  	s24 =	simm.s32 @!p0 $0x20;
	_ =	swait.ge [sflag:s28], $0x2800  }
0x27: {  	s25 =	simm.s32 @!p0 $0x10;
	s22 =	sshrl.u32 @!p0 s3, $0x3;
	[sflag:s28] =	ssyncset.done $0x0  }
0x28: {  	s23 =	simm.s32 @!p0 $0x1;
	s26 =	rddreg [dreg:$0x17];
	[sflag:s28] =	ssyncadd.s32 $0xFFFFD800  }
0x29: {  	[hbm:s26@s24], [sflag:s21] =	dma.strided @!p0 [spmem:s22@s25], $0x500, s23, $0x10   }
0x2a: {  	s21 =	simm.s32 @!p0 $0x7  }
0x2b: {  	_ =	swait.ge @!p0 [sflag:s21], $0x500  }
0x2c: {  	s20 =	sadd.s32 $0x1, s20;
	s26 =	rddreg [dreg:$0x18]  }
0x2d: {  	p1 =	sne.s32 s20, s26  }
.Ltmp1:
0x2e: {  	_ = 	snop;
	(pc) =	sbr.rel @!p1 .LBB2_7-.Ltmp1, $3  }
0x2f: {  	_ =	sdelay $0x1  }
0x30: {  	[sflag:s21] =	ssyncset.done @!p0 $0x0  }
0x31: {  	[sflag:s21] =	ssyncadd.s32 @!p0 $0xFFFFFB00  }
.LBB2_1:
0x32: {  	s21 =	simm.s32 $0x0;
	s22 =	rddreg [dreg:$0x6]  }
0x33: {  	[tilespmem:s21], [sflag:$0x7] =	stream.linear.gather [hbm4b:s22+s21], $0x2710, $0x38;
	[tilespmem:$0x1D600] =	vst v63  }
0x34: {  	_ =	swait.ge [sflag:s28], $0x2710  }
0x35: {  	[sflag:s28] =	ssyncset.done $0x0  }
0x36: {  	s21 =	simm.s32 $0x0;
	s22 =	simm.s32 $0x200;
	[sflag:s28] =	ssyncadd.s32 $0xFFFFD8F0  }
.LBB2_2:
0x37: {  	p1 =	sne.s32 s22, $0x4E00;
	[tilespmem:s21+$0x2CF0] =	vst v0  }
0x38: {  	[tilespmem:s21+$0x2C80] =	vst v0  }
0x39: {  	[tilespmem:s21+$0x2C90] =	vst v0  }
.Ltmp2:
0x3a: {  	[tilespmem:s21+$0x2CA0] =	vst v0;
	(pc) =	sbr.rel @p1 .LBB2_2-.Ltmp2, $4  }
0x3b: {  	[tilespmem:s21+$0x2CB0] =	vst v0  }
0x3c: {  	[tilespmem:s21+$0x2CC0] =	vst v0  }
0x3d: {  	[tilespmem:s21+$0x2CD0] =	vst v0  }
0x3e: {  	[tilespmem:s21+$0x2CE0] =	vst v0;
	s21 =	sshra.s32 s22, $0x2;
	s22 =	sadd.s32 $0x200, s22  }
0x3f: {  	[tilespmem:s21+$0x2CF0] =	vst v0  }
0x40: {  	[tilespmem:s21+$0x2C80] =	vst v0  }
0x41: {  	[tilespmem:s21+$0x2C90] =	vst v0  }
0x42: {  	[tilespmem:s21+$0x2CA0] =	vst v0  }
0x43: {  	[tilespmem:s21+$0x2CB0] =	vst v0  }
0x44: {  	[tilespmem:s21+$0x2CC0] =	vst v0  }
0x45: {  	[tilespmem:s21+$0x2CD0] =	vst v0  }
0x46: {  	[tilespmem:s21+$0x2CE0] =	vst v0  }
0x47: {  	[tilespmem:$0x9100] =	vst v0  }
0x48: {  	[tilespmem:$0x9110] =	vst v0  }
0x49: {  	[tilespmem:$0x9120] =	vst v0  }
0x4a: {  	[tilespmem:$0x9130] =	vst v0  }
0x4b: {  	[tilespmem:$0x9140] =	vst v0  }
0x4c: {  	[tilespmem:$0x9150] =	vst v0  }
0x4d: {  	[tilespmem:$0x9160] =	vst v0  }
0x4e: {  	[tilespmem:$0x9170] =	vst v0  }
0x4f: {  	[tilespmem:$0x9180] =	vst v0  }
0x50: {  	[tilespmem:$0x9190] =	vst v0  }
0x51: {  	[tilespmem:$0x91A0] =	vst v0  }
0x52: {  	[tilespmem:$0x91B0] =	vst v0  }
0x53: {  	[tilespmem:$0x91C0] =	vst v0  }
0x54: {  	[tilespmem:$0x91D0] =	vst v0  }
0x55: {  	[tilespmem:$0x91E0] =	vst v0  }
0x56: {  	[tilespmem:$0x91F0] =	vst v0  }
0x57: {  	[tilespmem:$0x9200] =	vst v0  }
0x58: {  	[tilespmem:$0x9210] =	vst v0  }
0x59: {  	[tilespmem:$0x9220] =	vst v0  }
0x5a: {  	[tilespmem:$0x9230] =	vst v0  }
0x5b: {  	[tilespmem:$0x9240] =	vst v0  }
0x5c: {  	[tilespmem:$0x9250] =	vst v0  }
0x5d: {  	[tilespmem:$0x9260] =	vst v0  }
0x5e: {  	[tilespmem:$0x9270] =	vst v0  }
0x5f: {  	[tilespmem:$0x9280] =	vst v0  }
0x60: {  	[tilespmem:$0x9290] =	vst v0  }
0x61: {  	[tilespmem:$0x92A0] =	vst v0  }
0x62: {  	[tilespmem:$0x92B0] =	vst v0  }
0x63: {  	[tilespmem:$0x92C0] =	vst v0  }
0x64: {  	[tilespmem:$0x92D0] =	vst v0  }
0x65: {  	[tilespmem:$0x92E0] =	vst v0  }
0x66: {  	[tilespmem:$0x92F0] =	vst v0  }
0x67: {  	[tilespmem:$0x9300] =	vst v0  }
0x68: {  	[tilespmem:$0x9310] =	vst v0  }
0x69: {  	[tilespmem:$0x9320] =	vst v0  }
0x6a: {  	[tilespmem:$0x9330] =	vst v0  }
0x6b: {  	[tilespmem:$0x9340] =	vst v0  }
0x6c: {  	[tilespmem:$0x9350] =	vst v0  }
0x6d: {  	[tilespmem:$0x9360] =	vst v0  }
0x6e: {  	[tilespmem:$0x9370] =	vst v0  }
0x6f: {  	[spmem:s7] =	stream.linear.scatter [tilespmem:s29], [sflag:$0x1], $0x1400, $0x38;
	[tilespmem:$0x1D600] =	vst v63  }
0x70: {  	s26 =	rddreg [dreg:$0x7]  }
0x71: {  	[spmem:s26] =	stream.linear.scatter [tilespmem:s29], [sflag:$0x1], $0x1400, $0x38;
	[tilespmem:$0x1D600] =	vst v63  }
0x72: {  	s22 =	rddreg [dreg:$0x8]  }
0x73: {  	[spmem:s22] =	stream.linear.scatter [tilespmem:s29], [sflag:$0x1], $0x1400, $0x38;
	[tilespmem:$0x1D600] =	vst v63  }
0x74: {  	s23 =	rddreg [dreg:$0x9]  }
0x75: {  	[spmem:s23] =	stream.linear.scatter [tilespmem:s29], [sflag:$0x1], $0x1400, $0x38;
	[tilespmem:$0x1D600] =	vst v63  }
0x76: {  	s24 =	rddreg [dreg:$0xa]  }
0x77: {  	[spmem:s24] =	stream.linear.scatter [tilespmem:s29], [sflag:$0x1], $0x1400, $0x38;
	[tilespmem:$0x1D600] =	vst v63  }
0x78: {  	s25 =	rddreg [dreg:$0xb]  }
0x79: {  	[spmem:s25] =	stream.linear.scatter [tilespmem:s29], [sflag:$0x1], $0x1400, $0x38;
	[tilespmem:$0x1D600] =	vst v63  }
0x7a: {  	s26 =	rddreg [dreg:$0xc]  }
0x7b: {  	[spmem:s26] =	stream.linear.scatter [tilespmem:s29], [sflag:$0x1], $0x1400, $0x38;
	[tilespmem:$0x1D600] =	vst v63  }
0x7c: {  	s22 =	rddreg [dreg:$0xd]  }
0x7d: {  	[spmem:s22] =	stream.linear.scatter [tilespmem:s29], [sflag:$0x1], $0x1400, $0x38;
	[tilespmem:$0x1D600] =	vst v63  }
0x7e: {  	s23 =	rddreg [dreg:$0xe]  }
0x7f: {  	[spmem:s23] =	stream.linear.scatter [tilespmem:s29], [sflag:$0x1], $0x1400, $0x38;
	[tilespmem:$0x1D600] =	vst v63  }
0x80: {  	s24 =	rddreg [dreg:$0xf]  }
0x81: {  	[spmem:s24] =	stream.linear.scatter [tilespmem:s29], [sflag:$0x1], $0x1400, $0x38;
	[tilespmem:$0x1D600] =	vst v63  }
0x82: {  	s25 =	rddreg [dreg:$0x10]  }
0x83: {  	[spmem:s25] =	stream.linear.scatter [tilespmem:s29], [sflag:$0x1], $0x1400, $0x38;
	[tilespmem:$0x1D600] =	vst v63  }
0x84: {  	s26 =	rddreg [dreg:$0x11]  }
0x85: {  	[spmem:s26] =	stream.linear.scatter [tilespmem:s29], [sflag:$0x1], $0x1400, $0x38;
	[tilespmem:$0x1D600] =	vst v63  }
0x86: {  	s22 =	rddreg [dreg:$0x12]  }
0x87: {  	[spmem:s22] =	stream.linear.scatter [tilespmem:s29], [sflag:$0x1], $0x1400, $0x38;
	[tilespmem:$0x1D600] =	vst v63  }
0x88: {  	s23 =	rddreg [dreg:$0x13]  }
0x89: {  	[spmem:s23] =	stream.linear.scatter [tilespmem:s29], [sflag:$0x1], $0x1400, $0x38;
	[tilespmem:$0x1D600] =	vst v63  }
0x8a: {  	s24 =	rddreg [dreg:$0x14]  }
0x8b: {  	[spmem:s24] =	stream.linear.scatter [tilespmem:s29], [sflag:$0x1], $0x1400, $0x38;
	[tilespmem:$0x1D600] =	vst v63  }
0x8c: {  	s25 =	rddreg [dreg:$0x19]  }
0x8d: {  	[spmem:s25] =	stream.linear.scatter [tilespmem:s29], [sflag:$0x1], $0x1400, $0x38;
	[tilespmem:$0x1D600] =	vst v63  }
0x8e: {  	s26 =	rddreg [dreg:$0x15];
	s22 =	simm.s32 $0x9100  }
0x8f: {  	[spmem:s26] =	stream.linear.scatter [tilespmem:s22], [sflag:$0x7], $0x280, $0x38;
	[tilespmem:$0x1D600] =	vst v63  }
0x90: {  	_ =	swait.ge [sflag:s28], $0x280  }
0x91: {  	[sflag:s28] =	ssyncset.done $0x0  }
0x92: {  	[sflag:s28] =	ssyncadd.s32 $0xFFFFFD80  }
0x93: {  	_ =	swait.ge [sflag:s31], $0x1400  }
0x94: {  	[sflag:s31] =	ssyncset.done $0x0  }
0x95: {  	[sflag:s31] =	ssyncadd.s32 $0xFFFFEC00  }
0x96: {  	_ =	swait.ge [sflag:s31], $0x1400  }
0x97: {  	[sflag:s31] =	ssyncset.done $0x0  }
0x98: {  	[sflag:s31] =	ssyncadd.s32 $0xFFFFEC00  }
0x99: {  	_ =	swait.ge [sflag:s31], $0x1400  }
0x9a: {  	[sflag:s31] =	ssyncset.done $0x0  }
0x9b: {  	[sflag:s31] =	ssyncadd.s32 $0xFFFFEC00  }
0x9c: {  	_ =	swait.ge [sflag:s31], $0x1400  }
0x9d: {  	[sflag:s31] =	ssyncset.done $0x0  }
0x9e: {  	[sflag:s31] =	ssyncadd.s32 $0xFFFFEC00  }
0x9f: {  	_ =	swait.ge [sflag:s31], $0x1400  }
0xa0: {  	[sflag:s31] =	ssyncset.done $0x0  }
0xa1: {  	[sflag:s31] =	ssyncadd.s32 $0xFFFFEC00  }
0xa2: {  	_ =	swait.ge [sflag:s31], $0x1400  }
0xa3: {  	[sflag:s31] =	ssyncset.done $0x0  }
0xa4: {  	[sflag:s31] =	ssyncadd.s32 $0xFFFFEC00  }
0xa5: {  	_ =	swait.ge [sflag:s31], $0x1400  }
0xa6: {  	[sflag:s31] =	ssyncset.done $0x0  }
0xa7: {  	[sflag:s31] =	ssyncadd.s32 $0xFFFFEC00  }
0xa8: {  	_ =	swait.ge [sflag:s31], $0x1400  }
0xa9: {  	[sflag:s31] =	ssyncset.done $0x0  }
0xaa: {  	[sflag:s31] =	ssyncadd.s32 $0xFFFFEC00  }
0xab: {  	_ =	swait.ge [sflag:s31], $0x1400  }
0xac: {  	[sflag:s31] =	ssyncset.done $0x0  }
0xad: {  	[sflag:s31] =	ssyncadd.s32 $0xFFFFEC00  }
0xae: {  	_ =	swait.ge [sflag:s31], $0x1400  }
0xaf: {  	[sflag:s31] =	ssyncset.done $0x0  }
0xb0: {  	[sflag:s31] =	ssyncadd.s32 $0xFFFFEC00  }
0xb1: {  	_ =	swait.ge [sflag:s31], $0x1400  }
0xb2: {  	[sflag:s31] =	ssyncset.done $0x0  }
0xb3: {  	[sflag:s31] =	ssyncadd.s32 $0xFFFFEC00  }
0xb4: {  	_ =	swait.ge [sflag:s31], $0x1400  }
0xb5: {  	[sflag:s31] =	ssyncset.done $0x0  }
0xb6: {  	[sflag:s31] =	ssyncadd.s32 $0xFFFFEC00  }
0xb7: {  	_ =	swait.ge [sflag:s31], $0x1400  }
0xb8: {  	[sflag:s31] =	ssyncset.done $0x0  }
0xb9: {  	[sflag:s31] =	ssyncadd.s32 $0xFFFFEC00  }
0xba: {  	_ =	swait.ge [sflag:s31], $0x1400  }
0xbb: {  	[sflag:s31] =	ssyncset.done $0x0  }
0xbc: {  	[sflag:s31] =	ssyncadd.s32 $0xFFFFEC00  }
0xbd: {  	_ =	swait.ge [sflag:s31], $0x1400  }
0xbe: {  	[sflag:s31] =	ssyncset.done $0x0  }
0xbf: {  	[sflag:s31] =	ssyncadd.s32 $0xFFFFEC00  }
0xc0: {  	_ =	swait.ge [sflag:s31], $0x1400  }
0xc1: {  	[sflag:s31] =	ssyncset.done $0x0  }
0xc2: {  	[sflag:s31] =	ssyncadd.s32 $0xFFFFEC00  }
0xc3: {  	v2 =	vld [tilespmem:$0x0];
	_ =	sdelay $0x1  }
0xc4: {  	v3 =	vld [tilespmem:$0x10]  }
0xc5: {  	[tilespmem:$0x9080] =	vst v1  }
0xc6: {  	v4 =	vld [tilespmem:$0x18];
	[tilespmem:$0x9090] =	vst v1  }
0xc7: {  	[tilespmem:$0x9098] =	vst v1;
	v5 =	vand.u32 $0x3FFF, v2  }
0xc8: {  	v56 =	vld [tilespmem:$0x28];
	v2 =	vshrl.u32 v2, $0xE;
	[tilespmem:$0x2780] =	vst v5  }
0xc9: {  	[tilespmem:$0x2A00] =	vst v2;
	v2 =	vand.u32 $0x3FFF, v3  }
0xca: {  	[tilespmem:$0x2790] =	vst v2;
	v2 =	vshrl.u32 v3, $0xE;
	v3 =	vld [tilespmem:$0x38]  }
0xcb: {  	[tilespmem:$0x2A10] =	vst v2;
	v2 =	vand.u32 $0x3FFF, v4  }
0xcc: {  	v57 =	vld [tilespmem:$0x40];
	[tilespmem:$0x2798] =	vst v2;
	v2 =	vshrl.u32 v4, $0xE  }
0xcd: {  	[tilespmem:$0x2A18] =	vst v2;
	v2 =	vand.u32 $0x3FFF, v56  }
0xce: {  	v58 =	vld [tilespmem:$0x50];
	[tilespmem:$0x2800] =	vst v2;
	v2 =	vshrl.u32 v56, $0xE  }
0xcf: {  	[tilespmem:$0x2A80] =	vst v2;
	v2 =	vand.u32 $0x3FFF, v3  }
0xd0: {  	[tilespmem:$0x2810] =	vst v2;
	v2 =	vshrl.u32 v3, $0xE;
	v3 =	vld [tilespmem:$0x60]  }
0xd1: {  	[tilespmem:$0x2A90] =	vst v2;
	v2 =	vand.u32 $0x3FFF, v57  }
0xd2: {  	v59 =	vld [tilespmem:$0x68];
	[tilespmem:$0x2818] =	vst v2;
	v2 =	vshrl.u32 v57, $0xE  }
0xd3: {  	[tilespmem:$0x2A98] =	vst v2;
	v2 =	vand.u32 $0x3FFF, v58  }
0xd4: {  	v60 =	vld [tilespmem:$0x78];
	[tilespmem:$0x2880] =	vst v2;
	v2 =	vshrl.u32 v58, $0xE  }
0xd5: {  	[tilespmem:$0x2B00] =	vst v2;
	v2 =	vand.u32 $0x3FFF, v3  }
0xd6: {  	[tilespmem:$0x2890] =	vst v2;
	v2 =	vshrl.u32 v3, $0xE;
	v3 =	vld [tilespmem:$0x88]  }
0xd7: {  	[tilespmem:$0x2B10] =	vst v2;
	v2 =	vand.u32 $0x3FFF, v59  }
0xd8: {  	v61 =	vld [tilespmem:$0x90];
	[tilespmem:$0x2898] =	vst v2;
	v2 =	vshrl.u32 v59, $0xE  }
0xd9: {  	[tilespmem:$0x2B18] =	vst v2;
	v2 =	vand.u32 $0x3FFF, v60  }
0xda: {  	v62 =	vld [tilespmem:$0xA0];
	[tilespmem:$0x2900] =	vst v2;
	v2 =	vshrl.u32 v60, $0xE  }
0xdb: {  	[tilespmem:$0x2B80] =	vst v2;
	v2 =	vand.u32 $0x3FFF, v3  }
0xdc: {  	[tilespmem:$0x2910] =	vst v2;
	v2 =	vshrl.u32 v3, $0xE;
	v3 =	vld [tilespmem:$0xB0]  }
0xdd: {  	[tilespmem:$0x2B90] =	vst v2;
	v2 =	vand.u32 $0x3FFF, v61  }
0xde: {  	v63 =	vld [tilespmem:$0xB8];
	[tilespmem:$0x2918] =	vst v2;
	v2 =	vshrl.u32 v61, $0xE  }
0xdf: {  	[tilespmem:$0x2B98] =	vst v2;
	v2 =	vand.u32 $0x3FFF, v62  }
0xe0: {  	[tilespmem:$0x2980] =	vst v2;
	v2 =	vshrl.u32 v62, $0xE  }
0xe1: {  	[tilespmem:$0x2C00] =	vst v2;
	v2 =	vand.u32 $0x3FFF, v3  }
0xe2: {  	[tilespmem:$0x2990] =	vst v2;
	v2 =	vshrl.u32 v3, $0xE  }
0xe3: {  	[tilespmem:$0x2C10] =	vst v2;
	v2 =	vand.u32 $0x3FFF, v63  }
0xe4: {  	[tilespmem:$0x2998] =	vst v2;
	v2 =	vshrl.u32 v63, $0xE  }
0xe5: {  	[tilespmem:$0x2C18] =	vst v2  }
0xe6: {  	s23 =	simm.s32 $0x2780;
	[bflag:$0x0] =	sbarrier.arrive $0xFFFF  }
0xe7: {  	[tilespmem:s29], [sflag:$0x1] =	stream.indirect.gather [hbm4b:s0+s2], $0x80, s23, s2, $0xb8;
	[tilespmem:$0x1D600] =	vst v63  }
0xe8: {  	s24 =	simm.s32 $0x2800  }
0xe9: {  	[tilespmem:s5], [sflag:$0x2] =	stream.indirect.gather [hbm4b:s0+s2], $0x80, s24, s2, $0xb8;
	[tilespmem:$0x1D600] =	vst v63  }
0xea: {  	s25 =	simm.s32 $0x2880  }
0xeb: {  	[tilespmem:s30], [sflag:$0x3] =	stream.indirect.gather [hbm4b:s0+s2], $0x80, s25, s2, $0xb8;
	[tilespmem:$0x1D600] =	vst v63  }
0xec: {  	s26 =	simm.s32 $0x2900  }
0xed: {  	[tilespmem:s4], [sflag:$0x4] =	stream.indirect.gather [hbm4b:s0+s2], $0x80, s26, s2, $0xb8;
	[tilespmem:$0x1D600] =	vst v63  }
0xee: {  	s21 =	simm.s32 $0x0  }
0xef: {  	[tilespmem:s8], [sflag:$0x5] =	stream.indirect.gather [hbm4b:s0+s2], $0x80, s6, s2, $0xb8;
	[tilespmem:$0x1D600] =	vst v63  }
.LBB2_4:
0xf0: {  	_ =	swait.ge [sflag:s31], $0x1400  }
0xf1: {  	[sflag:s31] =	ssyncset.done $0x0  }
0xf2: {  	[sflag:s31] =	ssyncadd.s32 $0xFFFFEC00  }
0xf3: {  	[spmem:s3] =	stream.indirect.scatter.add.f32 [tilespmem:s10], [sflag:$0x6], $0x1, s9, s2, $0xb8;
	[tilespmem:$0x1D600] =	vst v63  }
0xf4: {  	_ = 	snop  }
0xf5: {  	[spmem:s1] =	stream.indirect.scatter.add.f32 [tilespmem:s29], [sflag:$0x7], $0x80, s9, s2, $0xb8;
	[tilespmem:$0x1D600] =	vst v63  }
0xf6: {  	_ =	swait.ge [sflag:s28], $0x1400  }
0xf7: {  	[sflag:s28] =	ssyncset.done $0x0  }
0xf8: {  	[sflag:s28] =	ssyncadd.s32 $0xFFFFEC00  }
0xf9: {  	_ =	swait.ge [sflag:s11], $0x28  }
0xfa: {  	p1 =	seq.s32 s21, $0x9920;
	[sflag:s11] =	ssyncset.done $0x0  }
0xfb: {  	s22 =	sshra.s32 @!p1 s21, $0x2;
	[sflag:s11] =	ssyncadd.s32 $0xFFFFFFD8  }
0xfc: {  	v2 =	vld @!p1 [tilespmem:s22+$0xC8];
	_ =	sdelay $0x4  }
0xfd: {  	v3 =	vand.u32 @!p1 $0x3FFF, v2  }
0xfe: {  	v2 =	vshrl.u32 @!p1 v2, $0xE;
	[tilespmem:$0x2780] =	vst @!p1 v3  }
0xff: {  	[tilespmem:$0x2A00] =	vst @!p1 v2  }
0x100: {  	v2 =	vld @!p1 [tilespmem:s22+$0xD8];
	_ =	sdelay $0x4  }
0x101: {  	v3 =	vand.u32 @!p1 $0x3FFF, v2  }
0x102: {  	v2 =	vshrl.u32 @!p1 v2, $0xE;
	[tilespmem:$0x2790] =	vst @!p1 v3  }
0x103: {  	[tilespmem:$0x2A10] =	vst @!p1 v2  }
0x104: {  	v2 =	vld @!p1 [tilespmem:s22+$0xE0];
	_ =	sdelay $0x4  }
0x105: {  	v3 =	vand.u32 @!p1 $0x3FFF, v2  }
0x106: {  	v2 =	vshrl.u32 @!p1 v2, $0xE;
	[tilespmem:$0x2798] =	vst @!p1 v3  }
0x107: {  	s23 =	simm.s32 @!p1 $0x28;
	s24 =	simm.s32 @!p1 $0x2780;
	s25 =	simm.s32 @!p1 $0x2C80;
	[tilespmem:$0x2A18] =	vst @!p1 v2  }
0x108: {  	[tilespmem:s25], [sflag:$0x1] =	stream.indirect.gather @!p1 [hbm4b:s0+s23], $0x80, s24, s23, $0xb8;
	[tilespmem:$0x1D600] =	vst v63  }
0x109: {  	_ =	swait.ge [sflag:s12], $0x1400  }
0x10a: {  	[sflag:s12] =	ssyncset.done $0x0  }
0x10b: {  	[sflag:s12] =	ssyncadd.s32 $0xFFFFEC00  }
0x10c: {  	[spmem:s3] =	stream.indirect.scatter.add.f32 [tilespmem:s10], [sflag:$0x6], $0x1, s13, s2, $0xb8;
	[tilespmem:$0x1D600] =	vst v63  }
0x10d: {  	_ = 	snop  }
0x10e: {  	[spmem:s1] =	stream.indirect.scatter.add.f32 [tilespmem:s5], [sflag:$0x7], $0x80, s13, s2, $0xb8;
	[tilespmem:$0x1D600] =	vst v63  }
0x10f: {  	_ =	swait.ge [sflag:s28], $0x1400  }
0x110: {  	[sflag:s28] =	ssyncset.done $0x0  }
0x111: {  	[sflag:s28] =	ssyncadd.s32 $0xFFFFEC00  }
0x112: {  	_ =	swait.ge [sflag:s11], $0x28  }
0x113: {  	[sflag:s11] =	ssyncset.done $0x0  }
0x114: {  	[sflag:s11] =	ssyncadd.s32 $0xFFFFFFD8  }
0x115: {  	v2 =	vld @!p1 [tilespmem:s22+$0xF0];
	_ =	sdelay $0x4  }
0x116: {  	v3 =	vand.u32 @!p1 $0x3FFF, v2  }
0x117: {  	v2 =	vshrl.u32 @!p1 v2, $0xE;
	[tilespmem:$0x2800] =	vst @!p1 v3  }
0x118: {  	[tilespmem:$0x2A80] =	vst @!p1 v2  }
0x119: {  	v2 =	vld @!p1 [tilespmem:s22+$0x100];
	_ =	sdelay $0x4  }
0x11a: {  	v3 =	vand.u32 @!p1 $0x3FFF, v2  }
0x11b: {  	v2 =	vshrl.u32 @!p1 v2, $0xE;
	[tilespmem:$0x2810] =	vst @!p1 v3  }
0x11c: {  	[tilespmem:$0x2A90] =	vst @!p1 v2  }
0x11d: {  	v2 =	vld @!p1 [tilespmem:s22+$0x108];
	_ =	sdelay $0x4  }
0x11e: {  	v3 =	vand.u32 @!p1 $0x3FFF, v2  }
0x11f: {  	v2 =	vshrl.u32 @!p1 v2, $0xE;
	[tilespmem:$0x2818] =	vst @!p1 v3  }
0x120: {  	s24 =	simm.s32 @!p1 $0x2800;
	s25 =	simm.s32 @!p1 $0x4080;
	[tilespmem:$0x2A98] =	vst @!p1 v2  }
0x121: {  	[tilespmem:s25], [sflag:$0x2] =	stream.indirect.gather @!p1 [hbm4b:s0+s23], $0x80, s24, s23, $0xb8;
	[tilespmem:$0x1D600] =	vst v63  }
0x122: {  	_ =	swait.ge [sflag:s14], $0x1400  }
0x123: {  	[sflag:s14] =	ssyncset.done $0x0  }
0x124: {  	[sflag:s14] =	ssyncadd.s32 $0xFFFFEC00  }
0x125: {  	[spmem:s3] =	stream.indirect.scatter.add.f32 [tilespmem:s10], [sflag:$0x6], $0x1, s15, s2, $0xb8;
	[tilespmem:$0x1D600] =	vst v63  }
0x126: {  	_ = 	snop  }
0x127: {  	[spmem:s1] =	stream.indirect.scatter.add.f32 [tilespmem:s30], [sflag:$0x7], $0x80, s15, s2, $0xb8;
	[tilespmem:$0x1D600] =	vst v63  }
0x128: {  	_ =	swait.ge [sflag:s28], $0x1400  }
0x129: {  	[sflag:s28] =	ssyncset.done $0x0  }
0x12a: {  	[sflag:s28] =	ssyncadd.s32 $0xFFFFEC00  }
0x12b: {  	_ =	swait.ge [sflag:s11], $0x28  }
0x12c: {  	[sflag:s11] =	ssyncset.done $0x0  }
0x12d: {  	[sflag:s11] =	ssyncadd.s32 $0xFFFFFFD8  }
0x12e: {  	v2 =	vld @!p1 [tilespmem:s22+$0x118];
	_ =	sdelay $0x4  }
0x12f: {  	v3 =	vand.u32 @!p1 $0x3FFF, v2  }
0x130: {  	v2 =	vshrl.u32 @!p1 v2, $0xE;
	[tilespmem:$0x2880] =	vst @!p1 v3  }
0x131: {  	[tilespmem:$0x2B00] =	vst @!p1 v2  }
0x132: {  	v2 =	vld @!p1 [tilespmem:s22+$0x128];
	_ =	sdelay $0x4  }
0x133: {  	v3 =	vand.u32 @!p1 $0x3FFF, v2  }
0x134: {  	v2 =	vshrl.u32 @!p1 v2, $0xE;
	[tilespmem:$0x2890] =	vst @!p1 v3  }
0x135: {  	[tilespmem:$0x2B10] =	vst @!p1 v2  }
0x136: {  	v2 =	vld @!p1 [tilespmem:s22+$0x130];
	_ =	sdelay $0x4  }
0x137: {  	v3 =	vand.u32 @!p1 $0x3FFF, v2  }
0x138: {  	v2 =	vshrl.u32 @!p1 v2, $0xE;
	[tilespmem:$0x2898] =	vst @!p1 v3  }
0x139: {  	s24 =	simm.s32 @!p1 $0x2880;
	s25 =	simm.s32 @!p1 $0x5480;
	[tilespmem:$0x2B18] =	vst @!p1 v2  }
0x13a: {  	[tilespmem:s25], [sflag:$0x3] =	stream.indirect.gather @!p1 [hbm4b:s0+s23], $0x80, s24, s23, $0xb8;
	[tilespmem:$0x1D600] =	vst v63  }
0x13b: {  	_ =	swait.ge [sflag:s16], $0x1400  }
0x13c: {  	[sflag:s16] =	ssyncset.done $0x0  }
0x13d: {  	[sflag:s16] =	ssyncadd.s32 $0xFFFFEC00  }
0x13e: {  	[spmem:s3] =	stream.indirect.scatter.add.f32 [tilespmem:s10], [sflag:$0x6], $0x1, s17, s2, $0xb8;
	[tilespmem:$0x1D600] =	vst v63  }
0x13f: {  	_ = 	snop  }
0x140: {  	[spmem:s1] =	stream.indirect.scatter.add.f32 [tilespmem:s4], [sflag:$0x7], $0x80, s17, s2, $0xb8;
	[tilespmem:$0x1D600] =	vst v63  }
0x141: {  	_ =	swait.ge [sflag:s28], $0x1400  }
0x142: {  	[sflag:s28] =	ssyncset.done $0x0  }
0x143: {  	[sflag:s28] =	ssyncadd.s32 $0xFFFFEC00  }
0x144: {  	_ =	swait.ge [sflag:s11], $0x28  }
0x145: {  	[sflag:s11] =	ssyncset.done $0x0  }
0x146: {  	[sflag:s11] =	ssyncadd.s32 $0xFFFFFFD8  }
0x147: {  	v2 =	vld @!p1 [tilespmem:s22+$0x140];
	_ =	sdelay $0x4  }
0x148: {  	v3 =	vand.u32 @!p1 $0x3FFF, v2  }
0x149: {  	v2 =	vshrl.u32 @!p1 v2, $0xE;
	[tilespmem:$0x2900] =	vst @!p1 v3  }
0x14a: {  	[tilespmem:$0x2B80] =	vst @!p1 v2  }
0x14b: {  	v2 =	vld @!p1 [tilespmem:s22+$0x150];
	_ =	sdelay $0x4  }
0x14c: {  	v3 =	vand.u32 @!p1 $0x3FFF, v2  }
0x14d: {  	v2 =	vshrl.u32 @!p1 v2, $0xE;
	[tilespmem:$0x2910] =	vst @!p1 v3  }
0x14e: {  	[tilespmem:$0x2B90] =	vst @!p1 v2  }
0x14f: {  	v2 =	vld @!p1 [tilespmem:s22+$0x158];
	_ =	sdelay $0x4  }
0x150: {  	v3 =	vand.u32 @!p1 $0x3FFF, v2  }
0x151: {  	v2 =	vshrl.u32 @!p1 v2, $0xE;
	[tilespmem:$0x2918] =	vst @!p1 v3  }
0x152: {  	s24 =	simm.s32 @!p1 $0x6880;
	s22 =	simm.s32 @!p1 $0x2900;
	[tilespmem:$0x2B98] =	vst @!p1 v2  }
0x153: {  	[tilespmem:s24], [sflag:$0x4] =	stream.indirect.gather @!p1 [hbm4b:s0+s23], $0x80, s22, s23, $0xb8;
	[tilespmem:$0x1D600] =	vst v63  }
0x154: {  	_ =	swait.ge [sflag:s18], $0x1400  }
0x155: {  	[sflag:s18] =	ssyncset.done $0x0  }
0x156: {  	[sflag:s18] =	ssyncadd.s32 $0xFFFFEC00  }
0x157: {  	[spmem:s3] =	stream.indirect.scatter.add.f32 [tilespmem:s10], [sflag:$0x6], $0x1, s19, s2, $0xb8;
	[tilespmem:$0x1D600] =	vst v63  }
0x158: {  	_ = 	snop  }
0x159: {  	[spmem:s1] =	stream.indirect.scatter.add.f32 [tilespmem:s8], [sflag:$0x7], $0x80, s19, s2, $0xb8;
	[tilespmem:$0x1D600] =	vst v63  }
0x15a: {  	_ =	swait.ge [sflag:s28], $0x1400  }
.Ltmp3:
0x15b: {  	[sflag:s28] =	ssyncset.done $0x0;
	(pc) =	sbr.rel @p1 .LBB2_6-.Ltmp3, $4  }
0x15c: {  	[sflag:s28] =	ssyncadd.s32 $0xFFFFEC00  }
0x15d: {  	_ =	swait.ge [sflag:s11], $0x28  }
0x15e: {  	[sflag:s11] =	ssyncset.done $0x0  }
0x15f: {  	[sflag:s11] =	ssyncadd.s32 $0xFFFFFFD8  }
0x160: {  	s22 =	sshra.s32 s21, $0x2  }
0x161: {  	v2 =	vld [tilespmem:s22+$0x168];
	_ =	sdelay $0x4  }
0x162: {  	v3 =	vand.u32 $0x3FFF, v2  }
0x163: {  	v2 =	vshrl.u32 v2, $0xE;
	[tilespmem:$0x2980] =	vst v3  }
0x164: {  	[tilespmem:$0x2C00] =	vst v2  }
0x165: {  	v2 =	vld [tilespmem:s22+$0x178];
	_ =	sdelay $0x4  }
0x166: {  	v3 =	vand.u32 $0x3FFF, v2  }
0x167: {  	v2 =	vshrl.u32 v2, $0xE;
	[tilespmem:$0x2990] =	vst v3  }
0x168: {  	[tilespmem:$0x2C10] =	vst v2  }
0x169: {  	v2 =	vld [tilespmem:s22+$0x180];
	_ =	sdelay $0x3  }
.Ltmp4:
0x16a: {  	_ = 	snop;
	(pc) =	sbr.rel .LBB2_4-.Ltmp4, $4  }
0x16b: {  	v3 =	vand.u32 $0x3FFF, v2  }
0x16c: {  	v2 =	vshrl.u32 v2, $0xE;
	[tilespmem:$0x2998] =	vst v3  }
0x16d: {  	s21 =	sadd.s32 $0x320, s21;
	[tilespmem:$0x2C18] =	vst v2  }
0x16e: {  	[tilespmem:s8], [sflag:$0x5] =	stream.indirect.gather [hbm4b:s0+s2], $0x80, s6, s2, $0xb8;
	[tilespmem:$0x1D600] =	vst v63  }
.LBB2_7:
0x16f: {  	_ =	sfence.sel $0x180000  }
0x170: {  	[bflag:$0x0] =	sbarrier.arrive $0xFFFF  }
0x171: {  	_ =	strace $0x90000047  }
0x172: {  	[bflag:$0x2] =	sbarrier.arrive $0xFFFF  }
0x173: {  	s0 =	rddreg [dreg:$0x5]  }
0x174: {  	s0 =	sadd.s32 @!p0 $0x100000, s0  }
0x175: {  	[sflag:s0] =	ssyncadd.tile.s32 @!p0 $0x1;
	_ =	shalt  }
.Lfunc_end2:
_tile_overlayer_lowered:
.L_overlay_start_2:
0x176: {  	(tag) =	ssettag $0x2  }
0x177: {  	s0 =	rddreg [dreg:$0x0];
	s2 =	stileid.u32  }
0x178: {  	s1 =	rddreg [dreg:$0x1];
	p0 =	sne.s32 s2, $0x0  }
0x179: {  	s3 =	rddreg [dreg:$0x2];
	[bflag:$0x3] =	sbarrier.arrive $0xFFFF;
	s2 =	simm.s32 @!p0 $0x1C07  }
0x17a: {  	[timem:s3], [sflag:s2] =	dma.local @!p0 [hbm:s0], s1  }
0x17b: {  	s0 =	simm.s32 @!p0 $0x7  }
0x17c: {  	_ =	swait.ge @!p0 [sflag:s0], s1  }
0x17d: {  	s1 =	ssub.s32 @!p0 $0x0, s1;
	[sflag:s0] =	ssyncset.done @!p0 $0x0  }
0x17e: {  	[sflag:s0] =	ssyncadd.s32 @!p0 s1  }
0x17f: {  	[bflag:$0x3] =	sbarrier.arrive $0xFFFF  }
0x180: {  	_ =	shalt  }

</sc_bundles>
